<compile_context>
chip_gen: v7x
topology: tpu7x:2x2x1
jax: 0.10.2.dev20260603
libtpu: 0.0.44.dev20260713+nightly
codegen_flags: <defaults>
</compile_context>

<pallas_src>
import functools

import jax
import jax.numpy as jnp
from jax import lax
from jax.experimental import pallas as pl
from jax.experimental.pallas import tpu as pltpu
from jax.experimental.pallas import tpu_sc as plsc

N_NODES = 100000
N_PAD = 100352
ROWS_N = 784
E_EDGES = 6400000
E_PAD = 6553600
WIN1 = 12800
WING = 4096
NC, NS = 2, 16
NW = NC * NS

_mesh = plsc.VectorSubcoreMesh(
    core_axis_name="c", subcore_axis_name="s", num_cores=NC, num_subcores=NS)


def _gather_loop(tab_v, idx_v, upd_v, n):
    @plsc.parallel_loop(0, n, step=16, unroll=8)
    def step(e):
        idx16 = idx_v[pl.ds(e, 16)]
        upd_v[pl.ds(e, 16)] = plsc.load_gather(tab_v, [idx16])


@functools.partial(
    pl.kernel,
    out_type=jax.ShapeDtypeStruct((NC, N_PAD), jnp.float32),
    mesh=_mesh,
    scratch_types=[
        pltpu.VMEM((WIN1,), jnp.int32),
        pltpu.VMEM((WIN1,), jnp.int32),
        pltpu.VMEM((WIN1,), jnp.float32),
        pltpu.VMEM_SHARED((N_PAD,), jnp.float32),
        pltpu.SemaphoreType.DMA,
    ],
)
def _sc_count(dst_hbm, zeros_hbm, ones_hbm, out_hbm,
              idx0_v, idx1_v, ones_v, acc_sh, sem):
    cid = lax.axis_index("c")
    sid = lax.axis_index("s")
    wid = sid * NC + cid
    base = wid * (E_PAD // NW)
    nwin = E_PAD // NW // WIN1

    @pl.when(sid == 0)
    def _():
        pltpu.sync_copy(zeros_hbm, acc_sh)

    pltpu.sync_copy(ones_hbm, ones_v)
    pltpu.sync_copy(dst_hbm.at[pl.ds(base, WIN1)], idx0_v)
    plsc.subcore_barrier()

    @pl.loop(0, nwin, step=2)
    def body(wb):
        for b, cur, nxt in ((0, idx0_v, idx1_v), (1, idx1_v, idx0_v)):
            w = wb + b
            d = pltpu.async_copy(ones_v, acc_sh.at[cur], sem, add=True)

            @pl.when(w + 1 < nwin)
            def _():
                pltpu.sync_copy(
                    dst_hbm.at[pl.ds(base + (w + 1) * WIN1, WIN1)], nxt)

            d.wait()

    plsc.subcore_barrier()
    sl = N_PAD // NS
    pltpu.sync_copy(acc_sh.at[pl.ds(sid * sl, sl)],
                    out_hbm.at[cid, pl.ds(sid * sl, sl)])


def _seg_sum_sweep(src_hbm, dst_hbm, acc_sh, tab_v,
                   sidx0_v, sidx1_v, didx0_v, didx1_v, upd0_v, upd1_v, sem,
                   base, nwin):
    pltpu.sync_copy(src_hbm.at[pl.ds(base, WING)], sidx0_v)
    pltpu.sync_copy(dst_hbm.at[pl.ds(base, WING)], didx0_v)
    plsc.subcore_barrier()
    _gather_loop(tab_v, sidx0_v, upd0_v, WING)

    bufs = ((0, (sidx0_v, didx0_v, upd0_v), (sidx1_v, didx1_v, upd1_v)),
            (1, (sidx1_v, didx1_v, upd1_v), (sidx0_v, didx0_v, upd0_v)))

    @pl.loop(0, nwin, step=2)
    def body(wb):
        for b, cur, nxt in bufs:
            w = wb + b
            d = pltpu.async_copy(cur[2], acc_sh.at[cur[1]], sem, add=True)

            @pl.when(w + 1 < nwin)
            def _():
                e1 = base + (w + 1) * WING
                pltpu.sync_copy(src_hbm.at[pl.ds(e1, WING)], nxt[0])
                pltpu.sync_copy(dst_hbm.at[pl.ds(e1, WING)], nxt[1])
                _gather_loop(tab_v, nxt[0], nxt[2], WING)

            d.wait()


@functools.partial(
    pl.kernel,
    out_type=jax.ShapeDtypeStruct((NC, N_PAD), jnp.float32),
    mesh=_mesh,
    compiler_params=pltpu.CompilerParams(needs_layout_passes=False),
    scratch_types=[
        pltpu.VMEM((N_NODES,), jnp.float32),
        pltpu.VMEM((WING,), jnp.int32),
        pltpu.VMEM((WING,), jnp.int32),
        pltpu.VMEM((WING,), jnp.int32),
        pltpu.VMEM((WING,), jnp.int32),
        pltpu.VMEM((WING,), jnp.float32),
        pltpu.VMEM((WING,), jnp.float32),
        pltpu.VMEM_SHARED((N_PAD,), jnp.float32),
        pltpu.SemaphoreType.DMA,
    ],
)
def _sc_seg_scalar(src_hbm, dst_hbm, tab_hbm, zeros_hbm, out_hbm,
                   tab_v, sidx0_v, sidx1_v, didx0_v, didx1_v,
                   upd0_v, upd1_v, acc_sh, sem):
    cid = lax.axis_index("c")
    sid = lax.axis_index("s")
    wid = sid * NC + cid

    @pl.when(sid == 0)
    def _():
        pltpu.sync_copy(zeros_hbm, acc_sh)

    pltpu.sync_copy(tab_hbm.at[pl.ds(0, N_NODES)], tab_v)
    _seg_sum_sweep(src_hbm, dst_hbm, acc_sh, tab_v,
                   sidx0_v, sidx1_v, didx0_v, didx1_v, upd0_v, upd1_v, sem,
                   wid * (E_PAD // NW), E_PAD // NW // WING)
    plsc.subcore_barrier()
    sl = N_PAD // NS
    pltpu.sync_copy(acc_sh.at[pl.ds(sid * sl, sl)],
                    out_hbm.at[cid, pl.ds(sid * sl, sl)])


@functools.partial(
    pl.kernel,
    out_type=jax.ShapeDtypeStruct((NC, N_PAD), jnp.float32),
    mesh=_mesh,
    compiler_params=pltpu.CompilerParams(needs_layout_passes=False),
    scratch_types=[
        pltpu.VMEM((N_NODES,), jnp.float32),
        pltpu.VMEM((WING,), jnp.int32),
        pltpu.VMEM((WING,), jnp.int32),
        pltpu.VMEM((WING,), jnp.int32),
        pltpu.VMEM((WING,), jnp.int32),
        pltpu.VMEM((WING,), jnp.float32),
        pltpu.VMEM((WING,), jnp.float32),
        pltpu.VMEM_SHARED((N_PAD,), jnp.float32),
        pltpu.SemaphoreType.DMA,
    ],
)
def _sc_seg_feat(src_hbm, dst_hbm, q0tab_hbm, q1tab_hbm, zeros_hbm, out_hbm,
                 tab_v, sidx0_v, sidx1_v, didx0_v, didx1_v,
                 upd0_v, upd1_v, acc_sh, sem):
    cid = lax.axis_index("c")
    sid = lax.axis_index("s")

    @pl.when(sid == 0)
    def _():
        pltpu.sync_copy(zeros_hbm, acc_sh)

    @pl.when(cid == 0)
    def _():
        pltpu.sync_copy(q0tab_hbm.at[pl.ds(0, N_NODES)], tab_v)

    @pl.when(cid == 1)
    def _():
        pltpu.sync_copy(q1tab_hbm.at[pl.ds(0, N_NODES)], tab_v)
    _seg_sum_sweep(src_hbm, dst_hbm, acc_sh, tab_v,
                   sidx0_v, sidx1_v, didx0_v, didx1_v, upd0_v, upd1_v, sem,
                   sid * (E_PAD // NS), E_PAD // NS // WING)
    plsc.subcore_barrier()
    sl = N_PAD // NS
    pltpu.sync_copy(acc_sh.at[pl.ds(sid * sl, sl)],
                    out_hbm.at[cid, pl.ds(sid * sl, sl)])


def _tc_prep_body(cnt0, cnt1, xr, dinv_o, p_o):
    deg = cnt0[...] + cnt1[...] + 1.0
    dinv = lax.rsqrt(deg)
    dinv_o[...] = dinv
    p_o[...] = dinv * xr[...]


_tc_prep = pl.pallas_call(
    _tc_prep_body,
    out_shape=[jax.ShapeDtypeStruct((ROWS_N, 128), jnp.float32)] * 2,
)


def _tc_mid_body(segp0, segp1, dinv_r, p_r, W1_r, b1_r, W2_r, q0_o, q1_o):
    dinv = dinv_r[...]
    s = dinv * (segp0[...] + segp1[...] + p_r[...])
    t0 = jnp.zeros_like(s)
    t1 = jnp.zeros_like(s)
    for j in range(16):
        h = jnp.maximum(s * W1_r[0, j] + b1_r[j], 0.0)
        t0 = t0 + h * W2_r[j, 0]
        t1 = t1 + h * W2_r[j, 1]
    q0_o[...] = dinv * t0
    q1_o[...] = dinv * t1


_tc_mid = pl.pallas_call(
    _tc_mid_body,
    in_specs=[pl.BlockSpec(memory_space=pltpu.VMEM)] * 4
    + [pl.BlockSpec(memory_space=pltpu.SMEM)] * 3,
    out_shape=[jax.ShapeDtypeStruct((ROWS_N, 128), jnp.float32)] * 2,
)


def _tc_final_body(segq0, segq1, dinv_r, q0_r, q1_r, b2_r, o0, o1):
    dinv = dinv_r[...]
    o0[...] = dinv * (segq0[...] + q0_r[...]) + b2_r[0]
    o1[...] = dinv * (segq1[...] + q1_r[...]) + b2_r[1]


_tc_final = pl.pallas_call(
    _tc_final_body,
    in_specs=[pl.BlockSpec(memory_space=pltpu.VMEM)] * 5
    + [pl.BlockSpec(memory_space=pltpu.SMEM)],
    out_shape=[jax.ShapeDtypeStruct((ROWS_N, 128), jnp.float32)] * 2,
)


def kernel(x, edge_index, W1, b1, W2, b2):
    src = edge_index[0].astype(jnp.int32)
    dst = edge_index[1].astype(jnp.int32)

    pad_n = E_PAD - E_EDGES
    spread = jnp.arange(pad_n, dtype=jnp.int32) % (N_PAD - N_NODES)
    src_p = jnp.concatenate([src, spread])
    dst_p = jnp.concatenate([dst, N_NODES + spread])

    xpad = jnp.pad(x[:, 0], (0, N_PAD - N_NODES))
    zeros = jnp.zeros((N_PAD,), jnp.float32)
    ones = jnp.ones((WIN1,), jnp.float32)

    cnt = _sc_count(dst_p, zeros, ones)
    dinv, p = _tc_prep(cnt[0].reshape(ROWS_N, 128),
                       cnt[1].reshape(ROWS_N, 128),
                       xpad.reshape(ROWS_N, 128))
    segp = _sc_seg_scalar(src_p, dst_p, p.reshape(N_PAD), zeros)
    q0, q1 = _tc_mid(segp[0].reshape(ROWS_N, 128),
                     segp[1].reshape(ROWS_N, 128),
                     dinv, p, W1, b1, W2)
    segq = _sc_seg_feat(src_p, dst_p, q0.reshape(N_PAD), q1.reshape(N_PAD),
                        zeros)
    o0, o1 = _tc_final(segq[0].reshape(ROWS_N, 128),
                       segq[1].reshape(ROWS_N, 128),
                       dinv, q0, q1, b2)
    return jnp.stack([o0.reshape(N_PAD)[:N_NODES],
                      o1.reshape(N_PAD)[:N_NODES]], axis=1)

# --- scband reference (transcript-rebuilt; emitter-appended) ---
"""Pipeline reference for scband-gcn-67078799229060 (READ-ONLY COPY).

The authoritative reference and input builder live on the scoring server;
editing this copy changes nothing except your own understanding.
"""

import jax, jax.numpy as jnp
import numpy as np

N_NODES = 100000
N_EDGES = 6400000


def glorot(key, shape):
    fan_in, fan_out = shape[0], shape[1]
    limit = (6.0 / (fan_in + fan_out)) ** 0.5
    return jax.random.uniform(key, shape, dtype=jnp.float32, minval=-limit, maxval=limit)


def setup_inputs(seed: int = 0) -> dict:
    key = jax.random.key(seed)
    k1, k2, k3, k4 = jax.random.split(key, 4)
    x = jax.random.normal(k1, (N_NODES, 1), dtype=jnp.float32)
    edge_index = jax.random.randint(k2, (2, N_EDGES), 0, N_NODES, dtype=jnp.int64 if jax.config.jax_enable_x64 else jnp.int32).astype(jnp.int32)
    W1 = glorot(k3, (1, 16))
    b1 = jnp.zeros((16,), dtype=jnp.float32)
    W2 = glorot(k4, (16, 2))
    b2 = jnp.zeros((2,), dtype=jnp.float32)
    return {"x": x, "edge_index": edge_index, "W1": W1, "b1": b1, "W2": W2, "b2": b2}


def gcn_conv(x, edge_index, W, b):
    num_nodes = x.shape[0]
    # add self-loops (PyG GCNConv default add_self_loops=True)
    loop = jnp.arange(num_nodes, dtype=edge_index.dtype)
    src = jnp.concatenate([edge_index[0], loop])
    dst = jnp.concatenate([edge_index[1], loop])
    # symmetric normalization D^{-1/2} A_hat D^{-1/2}
    deg = jnp.zeros((num_nodes,), dtype=jnp.float32).at[dst].add(1.0)
    deg_inv_sqrt = jnp.where(deg > 0, deg ** -0.5, 0.0)
    norm = deg_inv_sqrt[src] * deg_inv_sqrt[dst]
    # linear transform then propagate
    h = x @ W
    msg = h[src] * norm[:, None]
    out = jnp.zeros((num_nodes, h.shape[1]), dtype=jnp.float32).at[dst].add(msg)
    return out + b


def reference(x, edge_index, W1, b1, W2, b2):
    h = gcn_conv(x, edge_index, W1, b1)
    h = jax.nn.relu(h)
    out = gcn_conv(h, edge_index, W2, b2)
    return out

if __name__ == "__main__":
    import jax
    _d = setup_inputs()
    print(jax.jit(kernel)(*tuple(_d.values())))

</pallas_src>

<mosaic_0001>
#map = affine_map<(d0, d1) -> (0)>
#map1 = affine_map<(d0, d1) -> (0, 0)>
module attributes {stable_mosaic.version = 14 : i64} {
  func.func @_sc_seg_scalar(%arg0: i32, %arg1: i32, %arg2: memref<6553600xi32, #tpu.memory_space<hbm>>, %arg3: memref<6553600xi32, #tpu.memory_space<hbm>>, %arg4: memref<100352xf32, #tpu.memory_space<hbm>>, %arg5: memref<100352xf32, #tpu.memory_space<hbm>>, %arg6: memref<2x100352xf32, #tpu.memory_space<hbm>>, %arg7: memref<100000xf32, #tpu.memory_space<vmem>>, %arg8: memref<4096xi32, #tpu.memory_space<vmem>>, %arg9: memref<4096xi32, #tpu.memory_space<vmem>>, %arg10: memref<4096xi32, #tpu.memory_space<vmem>>, %arg11: memref<4096xi32, #tpu.memory_space<vmem>>, %arg12: memref<4096xf32, #tpu.memory_space<vmem>>, %arg13: memref<4096xf32, #tpu.memory_space<vmem>>, %arg14: memref<100352xf32, #tpu.memory_space<vmem_shared>>, %arg15: memref<!tpu.dma_semaphore, #tpu.memory_space<semaphore_mem>>) attributes {dimension_semantics = [#tpu.dimension_semantics<core_parallel>, #tpu.dimension_semantics<subcore_parallel>], iteration_bounds = array<i64: 2, 16>, scalar_prefetch = 0 : i64, scratch_operands = 9 : i64, tpu.core_type = #tpu.core_type<sc_vector_subcore>, window_params = [{transform_indices = #map}, {transform_indices = #map}, {transform_indices = #map}, {transform_indices = #map}, {transform_indices = #map1}]} {
    %mul3A = arith.constant 2 : i32
    %mul3A_0 = arith.muli %arg1, %mul3A : i32
    %add3A = arith.addi %mul3A_0, %arg0 : i32
    %eq3A = arith.constant 0 : i32
    %eq3A_1 = arith.cmpi eq, %arg1, %eq3A : i32
    %convert_element_type3A = arith.extui %eq3A_1 : i1 to i32
    %cond3A = arith.constant 0 : i32
    %cond3A_2 = arith.cmpi ne, %convert_element_type3A, %cond3A : i32
    scf.if %cond3A_2 {
      "tpu.region"() ({
        %run_scoped3A = tpu.sem_alloc : memref<!tpu.dma_semaphore, #tpu.memory_space<semaphore_mem>>
        tpu.enqueue_dma source(%arg5 : memref<100352xf32, #tpu.memory_space<hbm>>) target(%arg14 : memref<100352xf32, #tpu.memory_space<vmem_shared>>) target_semaphore(%run_scoped3A : memref<!tpu.dma_semaphore, #tpu.memory_space<semaphore_mem>>)
        tpu.wait_dma2 semaphore(%run_scoped3A : memref<!tpu.dma_semaphore, #tpu.memory_space<semaphore_mem>>) src(%arg5 : memref<100352xf32, #tpu.memory_space<hbm>>) dst(%arg14 : memref<100352xf32, #tpu.memory_space<vmem_shared>>)
        tpu.yield
      }) : () -> ()
    } else {
    }
    "tpu.region"() ({
      %run_scoped3A = tpu.sem_alloc : memref<!tpu.dma_semaphore, #tpu.memory_space<semaphore_mem>>
      %dma_start3A = arith.constant 0 : i32
      %dma_start3A_16 = tpu.memref_slice %arg4[%dma_start3A] : memref<100352xf32, #tpu.memory_space<hbm>> -> memref<100000xf32, #tpu.memory_space<hbm>>
      %dma_start3A_17 = arith.constant 0 : i32
      %dma_start3A_18 = tpu.memref_slice %arg4[%dma_start3A_17] : memref<100352xf32, #tpu.memory_space<hbm>> -> memref<100000xf32, #tpu.memory_space<hbm>>
      tpu.enqueue_dma source(%dma_start3A_18 : memref<100000xf32, #tpu.memory_space<hbm>>) target(%arg7 : memref<100000xf32, #tpu.memory_space<vmem>>) target_semaphore(%run_scoped3A : memref<!tpu.dma_semaphore, #tpu.memory_space<semaphore_mem>>)
      %dma_wait3A = arith.constant 0 : i32
      %dma_wait3A_19 = tpu.memref_slice %arg4[%dma_wait3A] : memref<100352xf32, #tpu.memory_space<hbm>> -> memref<100000xf32, #tpu.memory_space<hbm>>
      %dma_wait3A_20 = arith.constant 0 : i32
      %dma_wait3A_21 = tpu.memref_slice %arg4[%dma_wait3A_20] : memref<100352xf32, #tpu.memory_space<hbm>> -> memref<100000xf32, #tpu.memory_space<hbm>>
      tpu.wait_dma2 semaphore(%run_scoped3A : memref<!tpu.dma_semaphore, #tpu.memory_space<semaphore_mem>>) src(%dma_wait3A_21 : memref<100000xf32, #tpu.memory_space<hbm>>) dst(%arg7 : memref<100000xf32, #tpu.memory_space<vmem>>)
      tpu.yield
    }) : () -> ()
    %mul3A_3 = arith.constant 204800 : i32
    %mul3A_4 = arith.muli %add3A, %mul3A_3 : i32
    "tpu.region"() ({
      %run_scoped3A = tpu.sem_alloc : memref<!tpu.dma_semaphore, #tpu.memory_space<semaphore_mem>>
      %dma_start3A = tpu.memref_slice %arg2[%mul3A_4] : memref<6553600xi32, #tpu.memory_space<hbm>> -> memref<4096xi32, #tpu.memory_space<hbm>>
      %dma_start3A_16 = tpu.memref_slice %arg2[%mul3A_4] : memref<6553600xi32, #tpu.memory_space<hbm>> -> memref<4096xi32, #tpu.memory_space<hbm>>
      tpu.enqueue_dma source(%dma_start3A_16 : memref<4096xi32, #tpu.memory_space<hbm>>) target(%arg8 : memref<4096xi32, #tpu.memory_space<vmem>>) target_semaphore(%run_scoped3A : memref<!tpu.dma_semaphore, #tpu.memory_space<semaphore_mem>>)
      %dma_wait3A = tpu.memref_slice %arg2[%mul3A_4] : memref<6553600xi32, #tpu.memory_space<hbm>> -> memref<4096xi32, #tpu.memory_space<hbm>>
      %dma_wait3A_17 = tpu.memref_slice %arg2[%mul3A_4] : memref<6553600xi32, #tpu.memory_space<hbm>> -> memref<4096xi32, #tpu.memory_space<hbm>>
      tpu.wait_dma2 semaphore(%run_scoped3A : memref<!tpu.dma_semaphore, #tpu.memory_space<semaphore_mem>>) src(%dma_wait3A_17 : memref<4096xi32, #tpu.memory_space<hbm>>) dst(%arg8 : memref<4096xi32, #tpu.memory_space<vmem>>)
      tpu.yield
    }) : () -> ()
    "tpu.region"() ({
      %run_scoped3A = tpu.sem_alloc : memref<!tpu.dma_semaphore, #tpu.memory_space<semaphore_mem>>
      %dma_start3A = tpu.memref_slice %arg3[%mul3A_4] : memref<6553600xi32, #tpu.memory_space<hbm>> -> memref<4096xi32, #tpu.memory_space<hbm>>
      %dma_start3A_16 = tpu.memref_slice %arg3[%mul3A_4] : memref<6553600xi32, #tpu.memory_space<hbm>> -> memref<4096xi32, #tpu.memory_space<hbm>>
      tpu.enqueue_dma source(%dma_start3A_16 : memref<4096xi32, #tpu.memory_space<hbm>>) target(%arg10 : memref<4096xi32, #tpu.memory_space<vmem>>) target_semaphore(%run_scoped3A : memref<!tpu.dma_semaphore, #tpu.memory_space<semaphore_mem>>)
      %dma_wait3A = tpu.memref_slice %arg3[%mul3A_4] : memref<6553600xi32, #tpu.memory_space<hbm>> -> memref<4096xi32, #tpu.memory_space<hbm>>
      %dma_wait3A_17 = tpu.memref_slice %arg3[%mul3A_4] : memref<6553600xi32, #tpu.memory_space<hbm>> -> memref<4096xi32, #tpu.memory_space<hbm>>
      tpu.wait_dma2 semaphore(%run_scoped3A : memref<!tpu.dma_semaphore, #tpu.memory_space<semaphore_mem>>) src(%dma_wait3A_17 : memref<4096xi32, #tpu.memory_space<hbm>>) dst(%arg10 : memref<4096xi32, #tpu.memory_space<vmem>>)
      tpu.yield
    }) : () -> ()
    %barrier3A = arith.constant 0 : index
    tpu.barrier barrier_id(%barrier3A)
    %parallel_loop3A = arith.constant 0 : i32
    %parallel_loop3A_5 = arith.constant 4096 : i32
    %parallel_loop3A_6 = arith.constant 16 : i32
    scf.for %parallel_loop3A_16 = %parallel_loop3A to %parallel_loop3A_5 step %parallel_loop3A_6  : i32 {
      %parallel_loop3A_17 = arith.index_cast %parallel_loop3A_16 : i32 to index
      %parallel_loop3A_18 = tpu.vector_load %arg8[%parallel_loop3A_17] {strides = array<i32>} : memref<4096xi32, #tpu.memory_space<vmem>>, vector<16xi32>,
      %parallel_loop3A_19 = tpu.vector_load_idx %arg7[%parallel_loop3A_18] : memref<100000xf32, #tpu.memory_space<vmem>>[vector<16xi32>], vector<16xf32>,
      %parallel_loop3A_20 = arith.index_cast %parallel_loop3A_16 : i32 to index
      %parallel_loop3A_21 = tpu.vector_load %arg12[%parallel_loop3A_20] {strides = array<i32>} : memref<4096xf32, #tpu.memory_space<vmem>>, vector<16xf32>,
      tpu.vector_store %arg12[%parallel_loop3A_20], %parallel_loop3A_19 {strides = array<i32>} : memref<4096xf32, #tpu.memory_space<vmem>>, vector<16xf32>,
    } {sc.loop_unroll_factor = 8 : i64, sc.parallel_access}
    %scan3A = arith.constant 0 : i32
    %scan3A_7 = arith.constant 25 : i32
    %scan3A_8 = arith.addi %scan3A, %scan3A_7 : i32
    %scan3A_9 = arith.constant 1 : i32
    scf.for %scan3A_16 = %scan3A to %scan3A_8 step %scan3A_9  : i32 {
      %mul3A_17 = arith.constant 2 : i32
      %mul3A_18 = arith.muli %scan3A_16, %mul3A_17 : i32
      %add3A_19 = arith.constant 0 : i32
      %add3A_20 = arith.addi %add3A_19, %mul3A_18 : i32
      %add3A_21 = arith.constant 0 : i32
      %add3A_22 = arith.addi %add3A_20, %add3A_21 : i32
      %dma_start3A = arith.constant 0 : i32
      %dma_start3A_23 = tpu.memref_slice %arg14[%dma_start3A] : memref<100352xf32, #tpu.memory_space<vmem_shared>> -> memref<100352xf32, #tpu.memory_space<vmem_shared>>
      tpu.enqueue_indirect_dma source(%arg12 : memref<4096xf32, #tpu.memory_space<vmem>>) target(%dma_start3A_23 : memref<100352xf32, #tpu.memory_space<vmem_shared>>) offsets(%arg10 : memref<4096xi32, #tpu.memory_space<vmem>>) semaphore(%arg15 : memref<!tpu.dma_semaphore, #tpu.memory_space<semaphore_mem>>) {add = true}
      %add3A_24 = arith.constant 1 : i32
      %add3A_25 = arith.addi %add3A_22, %add3A_24 : i32
      %lt3A = arith.constant 50 : i32
      %lt3A_26 = arith.cmpi slt, %add3A_25, %lt3A : i32
      %convert_element_type3A_27 = arith.extui %lt3A_26 : i1 to i32
      %cond3A_28 = arith.constant 0 : i32
      %cond3A_29 = arith.cmpi ne, %convert_element_type3A_27, %cond3A_28 : i32
      scf.if %cond3A_29 {
        %add3A_44 = arith.constant 1 : i32
        %add3A_45 = arith.addi %add3A_22, %add3A_44 : i32
        %mul3A_46 = arith.constant 4096 : i32
        %mul3A_47 = arith.muli %add3A_45, %mul3A_46 : i32
        %add3A_48 = arith.addi %mul3A_4, %mul3A_47 : i32
        "tpu.region"() ({
          %run_scoped3A = tpu.sem_alloc : memref<!tpu.dma_semaphore, #tpu.memory_space<semaphore_mem>>
          %dma_start3A_52 = tpu.memref_slice %arg2[%add3A_48] : memref<6553600xi32, #tpu.memory_space<hbm>> -> memref<4096xi32, #tpu.memory_space<hbm>>
          %dma_start3A_53 = tpu.memref_slice %arg2[%add3A_48] : memref<6553600xi32, #tpu.memory_space<hbm>> -> memref<4096xi32, #tpu.memory_space<hbm>>
          tpu.enqueue_dma source(%dma_start3A_53 : memref<4096xi32, #tpu.memory_space<hbm>>) target(%arg9 : memref<4096xi32, #tpu.memory_space<vmem>>) target_semaphore(%run_scoped3A : memref<!tpu.dma_semaphore, #tpu.memory_space<semaphore_mem>>)
          %dma_wait3A_54 = tpu.memref_slice %arg2[%add3A_48] : memref<6553600xi32, #tpu.memory_space<hbm>> -> memref<4096xi32, #tpu.memory_space<hbm>>
          %dma_wait3A_55 = tpu.memref_slice %arg2[%add3A_48] : memref<6553600xi32, #tpu.memory_space<hbm>> -> memref<4096xi32, #tpu.memory_space<hbm>>
          tpu.wait_dma2 semaphore(%run_scoped3A : memref<!tpu.dma_semaphore, #tpu.memory_space<semaphore_mem>>) src(%dma_wait3A_55 : memref<4096xi32, #tpu.memory_space<hbm>>) dst(%arg9 : memref<4096xi32, #tpu.memory_space<vmem>>)
          tpu.yield
        }) : () -> ()
        "tpu.region"() ({
          %run_scoped3A = tpu.sem_alloc : memref<!tpu.dma_semaphore, #tpu.memory_space<semaphore_mem>>
          %dma_start3A_52 = tpu.memref_slice %arg3[%add3A_48] : memref<6553600xi32, #tpu.memory_space<hbm>> -> memref<4096xi32, #tpu.memory_space<hbm>>
          %dma_start3A_53 = tpu.memref_slice %arg3[%add3A_48] : memref<6553600xi32, #tpu.memory_space<hbm>> -> memref<4096xi32, #tpu.memory_space<hbm>>
          tpu.enqueue_dma source(%dma_start3A_53 : memref<4096xi32, #tpu.memory_space<hbm>>) target(%arg11 : memref<4096xi32, #tpu.memory_space<vmem>>) target_semaphore(%run_scoped3A : memref<!tpu.dma_semaphore, #tpu.memory_space<semaphore_mem>>)
          %dma_wait3A_54 = tpu.memref_slice %arg3[%add3A_48] : memref<6553600xi32, #tpu.memory_space<hbm>> -> memref<4096xi32, #tpu.memory_space<hbm>>
          %dma_wait3A_55 = tpu.memref_slice %arg3[%add3A_48] : memref<6553600xi32, #tpu.memory_space<hbm>> -> memref<4096xi32, #tpu.memory_space<hbm>>
          tpu.wait_dma2 semaphore(%run_scoped3A : memref<!tpu.dma_semaphore, #tpu.memory_space<semaphore_mem>>) src(%dma_wait3A_55 : memref<4096xi32, #tpu.memory_space<hbm>>) dst(%arg11 : memref<4096xi32, #tpu.memory_space<vmem>>)
          tpu.yield
        }) : () -> ()
        %parallel_loop3A_49 = arith.constant 0 : i32
        %parallel_loop3A_50 = arith.constant 4096 : i32
        %parallel_loop3A_51 = arith.constant 16 : i32
        scf.for %parallel_loop3A_52 = %parallel_loop3A_49 to %parallel_loop3A_50 step %parallel_loop3A_51  : i32 {
          %parallel_loop3A_53 = arith.index_cast %parallel_loop3A_52 : i32 to index
          %parallel_loop3A_54 = tpu.vector_load %arg9[%parallel_loop3A_53] {strides = array<i32>} : memref<4096xi32, #tpu.memory_space<vmem>>, vector<16xi32>,
          %parallel_loop3A_55 = tpu.vector_load_idx %arg7[%parallel_loop3A_54] : memref<100000xf32, #tpu.memory_space<vmem>>[vector<16xi32>], vector<16xf32>,
          %parallel_loop3A_56 = arith.index_cast %parallel_loop3A_52 : i32 to index
          %parallel_loop3A_57 = tpu.vector_load %arg13[%parallel_loop3A_56] {strides = array<i32>} : memref<4096xf32, #tpu.memory_space<vmem>>, vector<16xf32>,
          tpu.vector_store %arg13[%parallel_loop3A_56], %parallel_loop3A_55 {strides = array<i32>} : memref<4096xf32, #tpu.memory_space<vmem>>, vector<16xf32>,
        } {sc.loop_unroll_factor = 8 : i64, sc.parallel_access}
      } else {
      }
      %dma_wait3A = arith.constant 0 : i32
      %dma_wait3A_30 = tpu.memref_slice %arg14[%dma_wait3A] : memref<100352xf32, #tpu.memory_space<vmem_shared>> -> memref<100352xf32, #tpu.memory_space<vmem_shared>>
      tpu.wait_indirect_dma semaphore(%arg15 : memref<!tpu.dma_semaphore, #tpu.memory_space<semaphore_mem>>) src(%arg12 : memref<4096xf32, #tpu.memory_space<vmem>>) dst(%dma_wait3A_30 : memref<100352xf32, #tpu.memory_space<vmem_shared>>)
      %add3A_31 = arith.constant 1 : i32
      %add3A_32 = arith.addi %add3A_20, %add3A_31 : i32
      %dma_start3A_33 = arith.constant 0 : i32
      %dma_start3A_34 = tpu.memref_slice %arg14[%dma_start3A_33] : memref<100352xf32, #tpu.memory_space<vmem_shared>> -> memref<100352xf32, #tpu.memory_space<vmem_shared>>
      tpu.enqueue_indirect_dma source(%arg13 : memref<4096xf32, #tpu.memory_space<vmem>>) target(%dma_start3A_34 : memref<100352xf32, #tpu.memory_space<vmem_shared>>) offsets(%arg11 : memref<4096xi32, #tpu.memory_space<vmem>>) semaphore(%arg15 : memref<!tpu.dma_semaphore, #tpu.memory_space<semaphore_mem>>) {add = true}
      %add3A_35 = arith.constant 1 : i32
      %add3A_36 = arith.addi %add3A_32, %add3A_35 : i32
      %lt3A_37 = arith.constant 50 : i32
      %lt3A_38 = arith.cmpi slt, %add3A_36, %lt3A_37 : i32
      %convert_element_type3A_39 = arith.extui %lt3A_38 : i1 to i32
      %cond3A_40 = arith.constant 0 : i32
      %cond3A_41 = arith.cmpi ne, %convert_element_type3A_39, %cond3A_40 : i32
      scf.if %cond3A_41 {
        %add3A_44 = arith.constant 1 : i32
        %add3A_45 = arith.addi %add3A_32, %add3A_44 : i32
        %mul3A_46 = arith.constant 4096 : i32
        %mul3A_47 = arith.muli %add3A_45, %mul3A_46 : i32
        %add3A_48 = arith.addi %mul3A_4, %mul3A_47 : i32
        "tpu.region"() ({
          %run_scoped3A = tpu.sem_alloc : memref<!tpu.dma_semaphore, #tpu.memory_space<semaphore_mem>>
          %dma_start3A_52 = tpu.memref_slice %arg2[%add3A_48] : memref<6553600xi32, #tpu.memory_space<hbm>> -> memref<4096xi32, #tpu.memory_space<hbm>>
          %dma_start3A_53 = tpu.memref_slice %arg2[%add3A_48] : memref<6553600xi32, #tpu.memory_space<hbm>> -> memref<4096xi32, #tpu.memory_space<hbm>>
          tpu.enqueue_dma source(%dma_start3A_53 : memref<4096xi32, #tpu.memory_space<hbm>>) target(%arg8 : memref<4096xi32, #tpu.memory_space<vmem>>) target_semaphore(%run_scoped3A : memref<!tpu.dma_semaphore, #tpu.memory_space<semaphore_mem>>)
          %dma_wait3A_54 = tpu.memref_slice %arg2[%add3A_48] : memref<6553600xi32, #tpu.memory_space<hbm>> -> memref<4096xi32, #tpu.memory_space<hbm>>
          %dma_wait3A_55 = tpu.memref_slice %arg2[%add3A_48] : memref<6553600xi32, #tpu.memory_space<hbm>> -> memref<4096xi32, #tpu.memory_space<hbm>>
          tpu.wait_dma2 semaphore(%run_scoped3A : memref<!tpu.dma_semaphore, #tpu.memory_space<semaphore_mem>>) src(%dma_wait3A_55 : memref<4096xi32, #tpu.memory_space<hbm>>) dst(%arg8 : memref<4096xi32, #tpu.memory_space<vmem>>)
          tpu.yield
        }) : () -> ()
        "tpu.region"() ({
          %run_scoped3A = tpu.sem_alloc : memref<!tpu.dma_semaphore, #tpu.memory_space<semaphore_mem>>
          %dma_start3A_52 = tpu.memref_slice %arg3[%add3A_48] : memref<6553600xi32, #tpu.memory_space<hbm>> -> memref<4096xi32, #tpu.memory_space<hbm>>
          %dma_start3A_53 = tpu.memref_slice %arg3[%add3A_48] : memref<6553600xi32, #tpu.memory_space<hbm>> -> memref<4096xi32, #tpu.memory_space<hbm>>
          tpu.enqueue_dma source(%dma_start3A_53 : memref<4096xi32, #tpu.memory_space<hbm>>) target(%arg10 : memref<4096xi32, #tpu.memory_space<vmem>>) target_semaphore(%run_scoped3A : memref<!tpu.dma_semaphore, #tpu.memory_space<semaphore_mem>>)
          %dma_wait3A_54 = tpu.memref_slice %arg3[%add3A_48] : memref<6553600xi32, #tpu.memory_space<hbm>> -> memref<4096xi32, #tpu.memory_space<hbm>>
          %dma_wait3A_55 = tpu.memref_slice %arg3[%add3A_48] : memref<6553600xi32, #tpu.memory_space<hbm>> -> memref<4096xi32, #tpu.memory_space<hbm>>
          tpu.wait_dma2 semaphore(%run_scoped3A : memref<!tpu.dma_semaphore, #tpu.memory_space<semaphore_mem>>) src(%dma_wait3A_55 : memref<4096xi32, #tpu.memory_space<hbm>>) dst(%arg10 : memref<4096xi32, #tpu.memory_space<vmem>>)
          tpu.yield
        }) : () -> ()
        %parallel_loop3A_49 = arith.constant 0 : i32
        %parallel_loop3A_50 = arith.constant 4096 : i32
        %parallel_loop3A_51 = arith.constant 16 : i32
        scf.for %parallel_loop3A_52 = %parallel_loop3A_49 to %parallel_loop3A_50 step %parallel_loop3A_51  : i32 {
          %parallel_loop3A_53 = arith.index_cast %parallel_loop3A_52 : i32 to index
          %parallel_loop3A_54 = tpu.vector_load %arg8[%parallel_loop3A_53] {strides = array<i32>} : memref<4096xi32, #tpu.memory_space<vmem>>, vector<16xi32>,
          %parallel_loop3A_55 = tpu.vector_load_idx %arg7[%parallel_loop3A_54] : memref<100000xf32, #tpu.memory_space<vmem>>[vector<16xi32>], vector<16xf32>,
          %parallel_loop3A_56 = arith.index_cast %parallel_loop3A_52 : i32 to index
          %parallel_loop3A_57 = tpu.vector_load %arg12[%parallel_loop3A_56] {strides = array<i32>} : memref<4096xf32, #tpu.memory_space<vmem>>, vector<16xf32>,
          tpu.vector_store %arg12[%parallel_loop3A_56], %parallel_loop3A_55 {strides = array<i32>} : memref<4096xf32, #tpu.memory_space<vmem>>, vector<16xf32>,
        } {sc.loop_unroll_factor = 8 : i64, sc.parallel_access}
      } else {
      }
      %dma_wait3A_42 = arith.constant 0 : i32
      %dma_wait3A_43 = tpu.memref_slice %arg14[%dma_wait3A_42] : memref<100352xf32, #tpu.memory_space<vmem_shared>> -> memref<100352xf32, #tpu.memory_space<vmem_shared>>
      tpu.wait_indirect_dma semaphore(%arg15 : memref<!tpu.dma_semaphore, #tpu.memory_space<semaphore_mem>>) src(%arg13 : memref<4096xf32, #tpu.memory_space<vmem>>) dst(%dma_wait3A_43 : memref<100352xf32, #tpu.memory_space<vmem_shared>>)
    }
    %scan3A_10 = arith.constant 25 : i32
    %barrier3A_11 = arith.constant 0 : index
    tpu.barrier barrier_id(%barrier3A_11)
    %mul3A_12 = arith.constant 6272 : i32
    %mul3A_13 = arith.muli %arg1, %mul3A_12 : i32
    %mul3A_14 = arith.constant 6272 : i32
    %mul3A_15 = arith.muli %arg1, %mul3A_14 : i32
    "tpu.region"() ({
      %run_scoped3A = tpu.sem_alloc : memref<!tpu.dma_semaphore, #tpu.memory_space<semaphore_mem>>
      %dma_start3A = tpu.memref_slice %arg6[%arg0, %mul3A_15] : memref<2x100352xf32, #tpu.memory_space<hbm>> -> memref<1x6272xf32, #tpu.memory_space<hbm>>
      %dma_start3A_16 = tpu.memref_squeeze %dma_start3A : memref<1x6272xf32, #tpu.memory_space<hbm>> -> memref<6272xf32, #tpu.memory_space<hbm>>
      %dma_start3A_17 = tpu.memref_slice %arg14[%mul3A_13] : memref<100352xf32, #tpu.memory_space<vmem_shared>> -> memref<6272xf32, #tpu.memory_space<vmem_shared>>
      tpu.enqueue_dma source(%dma_start3A_17 : memref<6272xf32, #tpu.memory_space<vmem_shared>>) target(%dma_start3A_16 : memref<6272xf32, #tpu.memory_space<hbm>>) target_semaphore(%run_scoped3A : memref<!tpu.dma_semaphore, #tpu.memory_space<semaphore_mem>>)
      %dma_wait3A = tpu.memref_slice %arg6[%arg0, %mul3A_15] : memref<2x100352xf32, #tpu.memory_space<hbm>> -> memref<1x6272xf32, #tpu.memory_space<hbm>>
      %dma_wait3A_18 = tpu.memref_squeeze %dma_wait3A : memref<1x6272xf32, #tpu.memory_space<hbm>> -> memref<6272xf32, #tpu.memory_space<hbm>>
      %dma_wait3A_19 = tpu.memref_slice %arg14[%mul3A_13] : memref<100352xf32, #tpu.memory_space<vmem_shared>> -> memref<6272xf32, #tpu.memory_space<vmem_shared>>
      tpu.wait_dma2 semaphore(%run_scoped3A : memref<!tpu.dma_semaphore, #tpu.memory_space<semaphore_mem>>) src(%dma_wait3A_19 : memref<6272xf32, #tpu.memory_space<vmem_shared>>) dst(%dma_wait3A_18 : memref<6272xf32, #tpu.memory_space<hbm>>)
      tpu.yield
    }) : () -> ()
    return
  }
}

#map = affine_map<(d0, d1) -> (0)>
#map1 = affine_map<(d0, d1) -> (0, 0)>
module attributes {stable_mosaic.version = 14 : i64} {
  func.func @_sc_count(%arg0: i32, %arg1: i32, %arg2: memref<6553600xi32, #tpu.memory_space<hbm>>, %arg3: memref<100352xf32, #tpu.memory_space<hbm>>, %arg4: memref<12800xf32, #tpu.memory_space<hbm>>, %arg5: memref<2x100352xf32, #tpu.memory_space<hbm>>, %arg6: memref<12800xi32, #tpu.memory_space<vmem>>, %arg7: memref<12800xi32, #tpu.memory_space<vmem>>, %arg8: memref<12800xf32, #tpu.memory_space<vmem>>, %arg9: memref<100352xf32, #tpu.memory_space<vmem_shared>>, %arg10: memref<!tpu.dma_semaphore, #tpu.memory_space<semaphore_mem>>) attributes {dimension_semantics = [#tpu.dimension_semantics<core_parallel>, #tpu.dimension_semantics<subcore_parallel>], iteration_bounds = array<i64: 2, 16>, scalar_prefetch = 0 : i64, scratch_operands = 5 : i64, tpu.core_type = #tpu.core_type<sc_vector_subcore>, window_params = [{transform_indices = #map}, {transform_indices = #map}, {transform_indices = #map}, {transform_indices = #map1}]} {
    %mul3A = arith.constant 2 : i32
    %mul3A_0 = arith.muli %arg1, %mul3A : i32
    %add3A = arith.addi %mul3A_0, %arg0 : i32
    %mul3A_1 = arith.constant 204800 : i32
    %mul3A_2 = arith.muli %add3A, %mul3A_1 : i32
    %eq3A = arith.constant 0 : i32
    %eq3A_3 = arith.cmpi eq, %arg1, %eq3A : i32
    %convert_element_type3A = arith.extui %eq3A_3 : i1 to i32
    %cond3A = arith.constant 0 : i32
    %cond3A_4 = arith.cmpi ne, %convert_element_type3A, %cond3A : i32
    scf.if %cond3A_4 {
      "tpu.region"() ({
        %run_scoped3A = tpu.sem_alloc : memref<!tpu.dma_semaphore, #tpu.memory_space<semaphore_mem>>
        tpu.enqueue_dma source(%arg3 : memref<100352xf32, #tpu.memory_space<hbm>>) target(%arg9 : memref<100352xf32, #tpu.memory_space<vmem_shared>>) target_semaphore(%run_scoped3A : memref<!tpu.dma_semaphore, #tpu.memory_space<semaphore_mem>>)
        tpu.wait_dma2 semaphore(%run_scoped3A : memref<!tpu.dma_semaphore, #tpu.memory_space<semaphore_mem>>) src(%arg3 : memref<100352xf32, #tpu.memory_space<hbm>>) dst(%arg9 : memref<100352xf32, #tpu.memory_space<vmem_shared>>)
        tpu.yield
      }) : () -> ()
    } else {
    }
    "tpu.region"() ({
      %run_scoped3A = tpu.sem_alloc : memref<!tpu.dma_semaphore, #tpu.memory_space<semaphore_mem>>
      tpu.enqueue_dma source(%arg4 : memref<12800xf32, #tpu.memory_space<hbm>>) target(%arg8 : memref<12800xf32, #tpu.memory_space<vmem>>) target_semaphore(%run_scoped3A : memref<!tpu.dma_semaphore, #tpu.memory_space<semaphore_mem>>)
      tpu.wait_dma2 semaphore(%run_scoped3A : memref<!tpu.dma_semaphore, #tpu.memory_space<semaphore_mem>>) src(%arg4 : memref<12800xf32, #tpu.memory_space<hbm>>) dst(%arg8 : memref<12800xf32, #tpu.memory_space<vmem>>)
      tpu.yield
    }) : () -> ()
    "tpu.region"() ({
      %run_scoped3A = tpu.sem_alloc : memref<!tpu.dma_semaphore, #tpu.memory_space<semaphore_mem>>
      %dma_start3A = tpu.memref_slice %arg2[%mul3A_2] : memref<6553600xi32, #tpu.memory_space<hbm>> -> memref<12800xi32, #tpu.memory_space<hbm>>
      %dma_start3A_14 = tpu.memref_slice %arg2[%mul3A_2] : memref<6553600xi32, #tpu.memory_space<hbm>> -> memref<12800xi32, #tpu.memory_space<hbm>>
      tpu.enqueue_dma source(%dma_start3A_14 : memref<12800xi32, #tpu.memory_space<hbm>>) target(%arg6 : memref<12800xi32, #tpu.memory_space<vmem>>) target_semaphore(%run_scoped3A : memref<!tpu.dma_semaphore, #tpu.memory_space<semaphore_mem>>)
      %dma_wait3A = tpu.memref_slice %arg2[%mul3A_2] : memref<6553600xi32, #tpu.memory_space<hbm>> -> memref<12800xi32, #tpu.memory_space<hbm>>
      %dma_wait3A_15 = tpu.memref_slice %arg2[%mul3A_2] : memref<6553600xi32, #tpu.memory_space<hbm>> -> memref<12800xi32, #tpu.memory_space<hbm>>
      tpu.wait_dma2 semaphore(%run_scoped3A : memref<!tpu.dma_semaphore, #tpu.memory_space<semaphore_mem>>) src(%dma_wait3A_15 : memref<12800xi32, #tpu.memory_space<hbm>>) dst(%arg6 : memref<12800xi32, #tpu.memory_space<vmem>>)
      tpu.yield
    }) : () -> ()
    %barrier3A = arith.constant 0 : index
    tpu.barrier barrier_id(%barrier3A)
    %scan3A = arith.constant 0 : i32
    %scan3A_5 = arith.constant 8 : i32
    %scan3A_6 = arith.addi %scan3A, %scan3A_5 : i32
    %scan3A_7 = arith.constant 1 : i32
    scf.for %scan3A_14 = %scan3A to %scan3A_6 step %scan3A_7  : i32 {
      %mul3A_15 = arith.constant 2 : i32
      %mul3A_16 = arith.muli %scan3A_14, %mul3A_15 : i32
      %add3A_17 = arith.constant 0 : i32
      %add3A_18 = arith.addi %add3A_17, %mul3A_16 : i32
      %add3A_19 = arith.constant 0 : i32
      %add3A_20 = arith.addi %add3A_18, %add3A_19 : i32
      %dma_start3A = arith.constant 0 : i32
      %dma_start3A_21 = tpu.memref_slice %arg9[%dma_start3A] : memref<100352xf32, #tpu.memory_space<vmem_shared>> -> memref<100352xf32, #tpu.memory_space<vmem_shared>>
      tpu.enqueue_indirect_dma source(%arg8 : memref<12800xf32, #tpu.memory_space<vmem>>) target(%dma_start3A_21 : memref<100352xf32, #tpu.memory_space<vmem_shared>>) offsets(%arg6 : memref<12800xi32, #tpu.memory_space<vmem>>) semaphore(%arg10 : memref<!tpu.dma_semaphore, #tpu.memory_space<semaphore_mem>>) {add = true}
      %add3A_22 = arith.constant 1 : i32
      %add3A_23 = arith.addi %add3A_20, %add3A_22 : i32
      %lt3A = arith.constant 16 : i32
      %lt3A_24 = arith.cmpi slt, %add3A_23, %lt3A : i32
      %convert_element_type3A_25 = arith.extui %lt3A_24 : i1 to i32
      %cond3A_26 = arith.constant 0 : i32
      %cond3A_27 = arith.cmpi ne, %convert_element_type3A_25, %cond3A_26 : i32
      scf.if %cond3A_27 {
        %add3A_42 = arith.constant 1 : i32
        %add3A_43 = arith.addi %add3A_20, %add3A_42 : i32
        %mul3A_44 = arith.constant 12800 : i32
        %mul3A_45 = arith.muli %add3A_43, %mul3A_44 : i32
        %add3A_46 = arith.addi %mul3A_2, %mul3A_45 : i32
        "tpu.region"() ({
          %run_scoped3A = tpu.sem_alloc : memref<!tpu.dma_semaphore, #tpu.memory_space<semaphore_mem>>
          %dma_start3A_47 = tpu.memref_slice %arg2[%add3A_46] : memref<6553600xi32, #tpu.memory_space<hbm>> -> memref<12800xi32, #tpu.memory_space<hbm>>
          %dma_start3A_48 = tpu.memref_slice %arg2[%add3A_46] : memref<6553600xi32, #tpu.memory_space<hbm>> -> memref<12800xi32, #tpu.memory_space<hbm>>
          tpu.enqueue_dma source(%dma_start3A_48 : memref<12800xi32, #tpu.memory_space<hbm>>) target(%arg7 : memref<12800xi32, #tpu.memory_space<vmem>>) target_semaphore(%run_scoped3A : memref<!tpu.dma_semaphore, #tpu.memory_space<semaphore_mem>>)
          %dma_wait3A_49 = tpu.memref_slice %arg2[%add3A_46] : memref<6553600xi32, #tpu.memory_space<hbm>> -> memref<12800xi32, #tpu.memory_space<hbm>>
          %dma_wait3A_50 = tpu.memref_slice %arg2[%add3A_46] : memref<6553600xi32, #tpu.memory_space<hbm>> -> memref<12800xi32, #tpu.memory_space<hbm>>
          tpu.wait_dma2 semaphore(%run_scoped3A : memref<!tpu.dma_semaphore, #tpu.memory_space<semaphore_mem>>) src(%dma_wait3A_50 : memref<12800xi32, #tpu.memory_space<hbm>>) dst(%arg7 : memref<12800xi32, #tpu.memory_space<vmem>>)
          tpu.yield
        }) : () -> ()
      } else {
      }
      %dma_wait3A = arith.constant 0 : i32
      %dma_wait3A_28 = tpu.memref_slice %arg9[%dma_wait3A] : memref<100352xf32, #tpu.memory_space<vmem_shared>> -> memref<100352xf32, #tpu.memory_space<vmem_shared>>
      tpu.wait_indirect_dma semaphore(%arg10 : memref<!tpu.dma_semaphore, #tpu.memory_space<semaphore_mem>>) src(%arg8 : memref<12800xf32, #tpu.memory_space<vmem>>) dst(%dma_wait3A_28 : memref<100352xf32, #tpu.memory_space<vmem_shared>>)
      %add3A_29 = arith.constant 1 : i32
      %add3A_30 = arith.addi %add3A_18, %add3A_29 : i32
      %dma_start3A_31 = arith.constant 0 : i32
      %dma_start3A_32 = tpu.memref_slice %arg9[%dma_start3A_31] : memref<100352xf32, #tpu.memory_space<vmem_shared>> -> memref<100352xf32, #tpu.memory_space<vmem_shared>>
      tpu.enqueue_indirect_dma source(%arg8 : memref<12800xf32, #tpu.memory_space<vmem>>) target(%dma_start3A_32 : memref<100352xf32, #tpu.memory_space<vmem_shared>>) offsets(%arg7 : memref<12800xi32, #tpu.memory_space<vmem>>) semaphore(%arg10 : memref<!tpu.dma_semaphore, #tpu.memory_space<semaphore_mem>>) {add = true}
      %add3A_33 = arith.constant 1 : i32
      %add3A_34 = arith.addi %add3A_30, %add3A_33 : i32
      %lt3A_35 = arith.constant 16 : i32
      %lt3A_36 = arith.cmpi slt, %add3A_34, %lt3A_35 : i32
      %convert_element_type3A_37 = arith.extui %lt3A_36 : i1 to i32
      %cond3A_38 = arith.constant 0 : i32
      %cond3A_39 = arith.cmpi ne, %convert_element_type3A_37, %cond3A_38 : i32
      scf.if %cond3A_39 {
        %add3A_42 = arith.constant 1 : i32
        %add3A_43 = arith.addi %add3A_30, %add3A_42 : i32
        %mul3A_44 = arith.constant 12800 : i32
        %mul3A_45 = arith.muli %add3A_43, %mul3A_44 : i32
        %add3A_46 = arith.addi %mul3A_2, %mul3A_45 : i32
        "tpu.region"() ({
          %run_scoped3A = tpu.sem_alloc : memref<!tpu.dma_semaphore, #tpu.memory_space<semaphore_mem>>
          %dma_start3A_47 = tpu.memref_slice %arg2[%add3A_46] : memref<6553600xi32, #tpu.memory_space<hbm>> -> memref<12800xi32, #tpu.memory_space<hbm>>
          %dma_start3A_48 = tpu.memref_slice %arg2[%add3A_46] : memref<6553600xi32, #tpu.memory_space<hbm>> -> memref<12800xi32, #tpu.memory_space<hbm>>
          tpu.enqueue_dma source(%dma_start3A_48 : memref<12800xi32, #tpu.memory_space<hbm>>) target(%arg6 : memref<12800xi32, #tpu.memory_space<vmem>>) target_semaphore(%run_scoped3A : memref<!tpu.dma_semaphore, #tpu.memory_space<semaphore_mem>>)
          %dma_wait3A_49 = tpu.memref_slice %arg2[%add3A_46] : memref<6553600xi32, #tpu.memory_space<hbm>> -> memref<12800xi32, #tpu.memory_space<hbm>>
          %dma_wait3A_50 = tpu.memref_slice %arg2[%add3A_46] : memref<6553600xi32, #tpu.memory_space<hbm>> -> memref<12800xi32, #tpu.memory_space<hbm>>
          tpu.wait_dma2 semaphore(%run_scoped3A : memref<!tpu.dma_semaphore, #tpu.memory_space<semaphore_mem>>) src(%dma_wait3A_50 : memref<12800xi32, #tpu.memory_space<hbm>>) dst(%arg6 : memref<12800xi32, #tpu.memory_space<vmem>>)
          tpu.yield
        }) : () -> ()
      } else {
      }
      %dma_wait3A_40 = arith.constant 0 : i32
      %dma_wait3A_41 = tpu.memref_slice %arg9[%dma_wait3A_40] : memref<100352xf32, #tpu.memory_space<vmem_shared>> -> memref<100352xf32, #tpu.memory_space<vmem_shared>>
      tpu.wait_indirect_dma semaphore(%arg10 : memref<!tpu.dma_semaphore, #tpu.memory_space<semaphore_mem>>) src(%arg8 : memref<12800xf32, #tpu.memory_space<vmem>>) dst(%dma_wait3A_41 : memref<100352xf32, #tpu.memory_space<vmem_shared>>)
    }
    %scan3A_8 = arith.constant 8 : i32
    %barrier3A_9 = arith.constant 0 : index
    tpu.barrier barrier_id(%barrier3A_9)
    %mul3A_10 = arith.constant 6272 : i32
    %mul3A_11 = arith.muli %arg1, %mul3A_10 : i32
    %mul3A_12 = arith.constant 6272 : i32
    %mul3A_13 = arith.muli %arg1, %mul3A_12 : i32
    "tpu.region"() ({
      %run_scoped3A = tpu.sem_alloc : memref<!tpu.dma_semaphore, #tpu.memory_space<semaphore_mem>>
      %dma_start3A = tpu.memref_slice %arg5[%arg0, %mul3A_13] : memref<2x100352xf32, #tpu.memory_space<hbm>> -> memref<1x6272xf32, #tpu.memory_space<hbm>>
      %dma_start3A_14 = tpu.memref_squeeze %dma_start3A : memref<1x6272xf32, #tpu.memory_space<hbm>> -> memref<6272xf32, #tpu.memory_space<hbm>>
      %dma_start3A_15 = tpu.memref_slice %arg9[%mul3A_11] : memref<100352xf32, #tpu.memory_space<vmem_shared>> -> memref<6272xf32, #tpu.memory_space<vmem_shared>>
      tpu.enqueue_dma source(%dma_start3A_15 : memref<6272xf32, #tpu.memory_space<vmem_shared>>) target(%dma_start3A_14 : memref<6272xf32, #tpu.memory_space<hbm>>) target_semaphore(%run_scoped3A : memref<!tpu.dma_semaphore, #tpu.memory_space<semaphore_mem>>)
      %dma_wait3A = tpu.memref_slice %arg5[%arg0, %mul3A_13] : memref<2x100352xf32, #tpu.memory_space<hbm>> -> memref<1x6272xf32, #tpu.memory_space<hbm>>
      %dma_wait3A_16 = tpu.memref_squeeze %dma_wait3A : memref<1x6272xf32, #tpu.memory_space<hbm>> -> memref<6272xf32, #tpu.memory_space<hbm>>
      %dma_wait3A_17 = tpu.memref_slice %arg9[%mul3A_11] : memref<100352xf32, #tpu.memory_space<vmem_shared>> -> memref<6272xf32, #tpu.memory_space<vmem_shared>>
      tpu.wait_dma2 semaphore(%run_scoped3A : memref<!tpu.dma_semaphore, #tpu.memory_space<semaphore_mem>>) src(%dma_wait3A_17 : memref<6272xf32, #tpu.memory_space<vmem_shared>>) dst(%dma_wait3A_16 : memref<6272xf32, #tpu.memory_space<hbm>>)
      tpu.yield
    }) : () -> ()
    return
  }
}

#map = affine_map<(d0, d1) -> (0)>
#map1 = affine_map<(d0, d1) -> (0, 0)>
module attributes {stable_mosaic.version = 14 : i64} {
  func.func @_sc_seg_feat(%arg0: i32, %arg1: i32, %arg2: memref<6553600xi32, #tpu.memory_space<hbm>>, %arg3: memref<6553600xi32, #tpu.memory_space<hbm>>, %arg4: memref<100352xf32, #tpu.memory_space<hbm>>, %arg5: memref<100352xf32, #tpu.memory_space<hbm>>, %arg6: memref<100352xf32, #tpu.memory_space<hbm>>, %arg7: memref<2x100352xf32, #tpu.memory_space<hbm>>, %arg8: memref<100000xf32, #tpu.memory_space<vmem>>, %arg9: memref<4096xi32, #tpu.memory_space<vmem>>, %arg10: memref<4096xi32, #tpu.memory_space<vmem>>, %arg11: memref<4096xi32, #tpu.memory_space<vmem>>, %arg12: memref<4096xi32, #tpu.memory_space<vmem>>, %arg13: memref<4096xf32, #tpu.memory_space<vmem>>, %arg14: memref<4096xf32, #tpu.memory_space<vmem>>, %arg15: memref<100352xf32, #tpu.memory_space<vmem_shared>>, %arg16: memref<!tpu.dma_semaphore, #tpu.memory_space<semaphore_mem>>) attributes {dimension_semantics = [#tpu.dimension_semantics<core_parallel>, #tpu.dimension_semantics<subcore_parallel>], iteration_bounds = array<i64: 2, 16>, scalar_prefetch = 0 : i64, scratch_operands = 9 : i64, tpu.core_type = #tpu.core_type<sc_vector_subcore>, window_params = [{transform_indices = #map}, {transform_indices = #map}, {transform_indices = #map}, {transform_indices = #map}, {transform_indices = #map}, {transform_indices = #map1}]} {
    %eq3A = arith.constant 0 : i32
    %eq3A_0 = arith.cmpi eq, %arg1, %eq3A : i32
    %convert_element_type3A = arith.extui %eq3A_0 : i1 to i32
    %cond3A = arith.constant 0 : i32
    %cond3A_1 = arith.cmpi ne, %convert_element_type3A, %cond3A : i32
    scf.if %cond3A_1 {
      "tpu.region"() ({
        %run_scoped3A = tpu.sem_alloc : memref<!tpu.dma_semaphore, #tpu.memory_space<semaphore_mem>>
        tpu.enqueue_dma source(%arg6 : memref<100352xf32, #tpu.memory_space<hbm>>) target(%arg15 : memref<100352xf32, #tpu.memory_space<vmem_shared>>) target_semaphore(%run_scoped3A : memref<!tpu.dma_semaphore, #tpu.memory_space<semaphore_mem>>)
        tpu.wait_dma2 semaphore(%run_scoped3A : memref<!tpu.dma_semaphore, #tpu.memory_space<semaphore_mem>>) src(%arg6 : memref<100352xf32, #tpu.memory_space<hbm>>) dst(%arg15 : memref<100352xf32, #tpu.memory_space<vmem_shared>>)
        tpu.yield
      }) : () -> ()
    } else {
    }
    %eq3A_2 = arith.constant 0 : i32
    %eq3A_3 = arith.cmpi eq, %arg0, %eq3A_2 : i32
    %convert_element_type3A_4 = arith.extui %eq3A_3 : i1 to i32
    %cond3A_5 = arith.constant 0 : i32
    %cond3A_6 = arith.cmpi ne, %convert_element_type3A_4, %cond3A_5 : i32
    scf.if %cond3A_6 {
      "tpu.region"() ({
        %run_scoped3A = tpu.sem_alloc : memref<!tpu.dma_semaphore, #tpu.memory_space<semaphore_mem>>
        %dma_start3A = arith.constant 0 : i32
        %dma_start3A_24 = tpu.memref_slice %arg4[%dma_start3A] : memref<100352xf32, #tpu.memory_space<hbm>> -> memref<100000xf32, #tpu.memory_space<hbm>>
        %dma_start3A_25 = arith.constant 0 : i32
        %dma_start3A_26 = tpu.memref_slice %arg4[%dma_start3A_25] : memref<100352xf32, #tpu.memory_space<hbm>> -> memref<100000xf32, #tpu.memory_space<hbm>>
        tpu.enqueue_dma source(%dma_start3A_26 : memref<100000xf32, #tpu.memory_space<hbm>>) target(%arg8 : memref<100000xf32, #tpu.memory_space<vmem>>) target_semaphore(%run_scoped3A : memref<!tpu.dma_semaphore, #tpu.memory_space<semaphore_mem>>)
        %dma_wait3A = arith.constant 0 : i32
        %dma_wait3A_27 = tpu.memref_slice %arg4[%dma_wait3A] : memref<100352xf32, #tpu.memory_space<hbm>> -> memref<100000xf32, #tpu.memory_space<hbm>>
        %dma_wait3A_28 = arith.constant 0 : i32
        %dma_wait3A_29 = tpu.memref_slice %arg4[%dma_wait3A_28] : memref<100352xf32, #tpu.memory_space<hbm>> -> memref<100000xf32, #tpu.memory_space<hbm>>
        tpu.wait_dma2 semaphore(%run_scoped3A : memref<!tpu.dma_semaphore, #tpu.memory_space<semaphore_mem>>) src(%dma_wait3A_29 : memref<100000xf32, #tpu.memory_space<hbm>>) dst(%arg8 : memref<100000xf32, #tpu.memory_space<vmem>>)
        tpu.yield
      }) : () -> ()
    } else {
    }
    %eq3A_7 = arith.constant 1 : i32
    %eq3A_8 = arith.cmpi eq, %arg0, %eq3A_7 : i32
    %convert_element_type3A_9 = arith.extui %eq3A_8 : i1 to i32
    %cond3A_10 = arith.constant 0 : i32
    %cond3A_11 = arith.cmpi ne, %convert_element_type3A_9, %cond3A_10 : i32
    scf.if %cond3A_11 {
      "tpu.region"() ({
        %run_scoped3A = tpu.sem_alloc : memref<!tpu.dma_semaphore, #tpu.memory_space<semaphore_mem>>
        %dma_start3A = arith.constant 0 : i32
        %dma_start3A_24 = tpu.memref_slice %arg5[%dma_start3A] : memref<100352xf32, #tpu.memory_space<hbm>> -> memref<100000xf32, #tpu.memory_space<hbm>>
        %dma_start3A_25 = arith.constant 0 : i32
        %dma_start3A_26 = tpu.memref_slice %arg5[%dma_start3A_25] : memref<100352xf32, #tpu.memory_space<hbm>> -> memref<100000xf32, #tpu.memory_space<hbm>>
        tpu.enqueue_dma source(%dma_start3A_26 : memref<100000xf32, #tpu.memory_space<hbm>>) target(%arg8 : memref<100000xf32, #tpu.memory_space<vmem>>) target_semaphore(%run_scoped3A : memref<!tpu.dma_semaphore, #tpu.memory_space<semaphore_mem>>)
        %dma_wait3A = arith.constant 0 : i32
        %dma_wait3A_27 = tpu.memref_slice %arg5[%dma_wait3A] : memref<100352xf32, #tpu.memory_space<hbm>> -> memref<100000xf32, #tpu.memory_space<hbm>>
        %dma_wait3A_28 = arith.constant 0 : i32
        %dma_wait3A_29 = tpu.memref_slice %arg5[%dma_wait3A_28] : memref<100352xf32, #tpu.memory_space<hbm>> -> memref<100000xf32, #tpu.memory_space<hbm>>
        tpu.wait_dma2 semaphore(%run_scoped3A : memref<!tpu.dma_semaphore, #tpu.memory_space<semaphore_mem>>) src(%dma_wait3A_29 : memref<100000xf32, #tpu.memory_space<hbm>>) dst(%arg8 : memref<100000xf32, #tpu.memory_space<vmem>>)
        tpu.yield
      }) : () -> ()
    } else {
    }
    %mul3A = arith.constant 409600 : i32
    %mul3A_12 = arith.muli %arg1, %mul3A : i32
    "tpu.region"() ({
      %run_scoped3A = tpu.sem_alloc : memref<!tpu.dma_semaphore, #tpu.memory_space<semaphore_mem>>
      %dma_start3A = tpu.memref_slice %arg2[%mul3A_12] : memref<6553600xi32, #tpu.memory_space<hbm>> -> memref<4096xi32, #tpu.memory_space<hbm>>
      %dma_start3A_24 = tpu.memref_slice %arg2[%mul3A_12] : memref<6553600xi32, #tpu.memory_space<hbm>> -> memref<4096xi32, #tpu.memory_space<hbm>>
      tpu.enqueue_dma source(%dma_start3A_24 : memref<4096xi32, #tpu.memory_space<hbm>>) target(%arg9 : memref<4096xi32, #tpu.memory_space<vmem>>) target_semaphore(%run_scoped3A : memref<!tpu.dma_semaphore, #tpu.memory_space<semaphore_mem>>)
      %dma_wait3A = tpu.memref_slice %arg2[%mul3A_12] : memref<6553600xi32, #tpu.memory_space<hbm>> -> memref<4096xi32, #tpu.memory_space<hbm>>
      %dma_wait3A_25 = tpu.memref_slice %arg2[%mul3A_12] : memref<6553600xi32, #tpu.memory_space<hbm>> -> memref<4096xi32, #tpu.memory_space<hbm>>
      tpu.wait_dma2 semaphore(%run_scoped3A : memref<!tpu.dma_semaphore, #tpu.memory_space<semaphore_mem>>) src(%dma_wait3A_25 : memref<4096xi32, #tpu.memory_space<hbm>>) dst(%arg9 : memref<4096xi32, #tpu.memory_space<vmem>>)
      tpu.yield
    }) : () -> ()
    "tpu.region"() ({
      %run_scoped3A = tpu.sem_alloc : memref<!tpu.dma_semaphore, #tpu.memory_space<semaphore_mem>>
      %dma_start3A = tpu.memref_slice %arg3[%mul3A_12] : memref<6553600xi32, #tpu.memory_space<hbm>> -> memref<4096xi32, #tpu.memory_space<hbm>>
      %dma_start3A_24 = tpu.memref_slice %arg3[%mul3A_12] : memref<6553600xi32, #tpu.memory_space<hbm>> -> memref<4096xi32, #tpu.memory_space<hbm>>
      tpu.enqueue_dma source(%dma_start3A_24 : memref<4096xi32, #tpu.memory_space<hbm>>) target(%arg11 : memref<4096xi32, #tpu.memory_space<vmem>>) target_semaphore(%run_scoped3A : memref<!tpu.dma_semaphore, #tpu.memory_space<semaphore_mem>>)
      %dma_wait3A = tpu.memref_slice %arg3[%mul3A_12] : memref<6553600xi32, #tpu.memory_space<hbm>> -> memref<4096xi32, #tpu.memory_space<hbm>>
      %dma_wait3A_25 = tpu.memref_slice %arg3[%mul3A_12] : memref<6553600xi32, #tpu.memory_space<hbm>> -> memref<4096xi32, #tpu.memory_space<hbm>>
      tpu.wait_dma2 semaphore(%run_scoped3A : memref<!tpu.dma_semaphore, #tpu.memory_space<semaphore_mem>>) src(%dma_wait3A_25 : memref<4096xi32, #tpu.memory_space<hbm>>) dst(%arg11 : memref<4096xi32, #tpu.memory_space<vmem>>)
      tpu.yield
    }) : () -> ()
    %barrier3A = arith.constant 0 : index
    tpu.barrier barrier_id(%barrier3A)
    %parallel_loop3A = arith.constant 0 : i32
    %parallel_loop3A_13 = arith.constant 4096 : i32
    %parallel_loop3A_14 = arith.constant 16 : i32
    scf.for %parallel_loop3A_24 = %parallel_loop3A to %parallel_loop3A_13 step %parallel_loop3A_14  : i32 {
      %parallel_loop3A_25 = arith.index_cast %parallel_loop3A_24 : i32 to index
      %parallel_loop3A_26 = tpu.vector_load %arg9[%parallel_loop3A_25] {strides = array<i32>} : memref<4096xi32, #tpu.memory_space<vmem>>, vector<16xi32>,
      %parallel_loop3A_27 = tpu.vector_load_idx %arg8[%parallel_loop3A_26] : memref<100000xf32, #tpu.memory_space<vmem>>[vector<16xi32>], vector<16xf32>,
      %parallel_loop3A_28 = arith.index_cast %parallel_loop3A_24 : i32 to index
      %parallel_loop3A_29 = tpu.vector_load %arg13[%parallel_loop3A_28] {strides = array<i32>} : memref<4096xf32, #tpu.memory_space<vmem>>, vector<16xf32>,
      tpu.vector_store %arg13[%parallel_loop3A_28], %parallel_loop3A_27 {strides = array<i32>} : memref<4096xf32, #tpu.memory_space<vmem>>, vector<16xf32>,
    } {sc.loop_unroll_factor = 8 : i64, sc.parallel_access}
    %scan3A = arith.constant 0 : i32
    %scan3A_15 = arith.constant 50 : i32
    %scan3A_16 = arith.addi %scan3A, %scan3A_15 : i32
    %scan3A_17 = arith.constant 1 : i32
    scf.for %scan3A_24 = %scan3A to %scan3A_16 step %scan3A_17  : i32 {
      %mul3A_25 = arith.constant 2 : i32
      %mul3A_26 = arith.muli %scan3A_24, %mul3A_25 : i32
      %add3A = arith.constant 0 : i32
      %add3A_27 = arith.addi %add3A, %mul3A_26 : i32
      %add3A_28 = arith.constant 0 : i32
      %add3A_29 = arith.addi %add3A_27, %add3A_28 : i32
      %dma_start3A = arith.constant 0 : i32
      %dma_start3A_30 = tpu.memref_slice %arg15[%dma_start3A] : memref<100352xf32, #tpu.memory_space<vmem_shared>> -> memref<100352xf32, #tpu.memory_space<vmem_shared>>
      tpu.enqueue_indirect_dma source(%arg13 : memref<4096xf32, #tpu.memory_space<vmem>>) target(%dma_start3A_30 : memref<100352xf32, #tpu.memory_space<vmem_shared>>) offsets(%arg11 : memref<4096xi32, #tpu.memory_space<vmem>>) semaphore(%arg16 : memref<!tpu.dma_semaphore, #tpu.memory_space<semaphore_mem>>) {add = true}
      %add3A_31 = arith.constant 1 : i32
      %add3A_32 = arith.addi %add3A_29, %add3A_31 : i32
      %lt3A = arith.constant 100 : i32
      %lt3A_33 = arith.cmpi slt, %add3A_32, %lt3A : i32
      %convert_element_type3A_34 = arith.extui %lt3A_33 : i1 to i32
      %cond3A_35 = arith.constant 0 : i32
      %cond3A_36 = arith.cmpi ne, %convert_element_type3A_34, %cond3A_35 : i32
      scf.if %cond3A_36 {
        %add3A_51 = arith.constant 1 : i32
        %add3A_52 = arith.addi %add3A_29, %add3A_51 : i32
        %mul3A_53 = arith.constant 4096 : i32
        %mul3A_54 = arith.muli %add3A_52, %mul3A_53 : i32
        %add3A_55 = arith.addi %mul3A_12, %mul3A_54 : i32
        "tpu.region"() ({
          %run_scoped3A = tpu.sem_alloc : memref<!tpu.dma_semaphore, #tpu.memory_space<semaphore_mem>>
          %dma_start3A_59 = tpu.memref_slice %arg2[%add3A_55] : memref<6553600xi32, #tpu.memory_space<hbm>> -> memref<4096xi32, #tpu.memory_space<hbm>>
          %dma_start3A_60 = tpu.memref_slice %arg2[%add3A_55] : memref<6553600xi32, #tpu.memory_space<hbm>> -> memref<4096xi32, #tpu.memory_space<hbm>>
          tpu.enqueue_dma source(%dma_start3A_60 : memref<4096xi32, #tpu.memory_space<hbm>>) target(%arg10 : memref<4096xi32, #tpu.memory_space<vmem>>) target_semaphore(%run_scoped3A : memref<!tpu.dma_semaphore, #tpu.memory_space<semaphore_mem>>)
          %dma_wait3A_61 = tpu.memref_slice %arg2[%add3A_55] : memref<6553600xi32, #tpu.memory_space<hbm>> -> memref<4096xi32, #tpu.memory_space<hbm>>
          %dma_wait3A_62 = tpu.memref_slice %arg2[%add3A_55] : memref<6553600xi32, #tpu.memory_space<hbm>> -> memref<4096xi32, #tpu.memory_space<hbm>>
          tpu.wait_dma2 semaphore(%run_scoped3A : memref<!tpu.dma_semaphore, #tpu.memory_space<semaphore_mem>>) src(%dma_wait3A_62 : memref<4096xi32, #tpu.memory_space<hbm>>) dst(%arg10 : memref<4096xi32, #tpu.memory_space<vmem>>)
          tpu.yield
        }) : () -> ()
        "tpu.region"() ({
          %run_scoped3A = tpu.sem_alloc : memref<!tpu.dma_semaphore, #tpu.memory_space<semaphore_mem>>
          %dma_start3A_59 = tpu.memref_slice %arg3[%add3A_55] : memref<6553600xi32, #tpu.memory_space<hbm>> -> memref<4096xi32, #tpu.memory_space<hbm>>
          %dma_start3A_60 = tpu.memref_slice %arg3[%add3A_55] : memref<6553600xi32, #tpu.memory_space<hbm>> -> memref<4096xi32, #tpu.memory_space<hbm>>
          tpu.enqueue_dma source(%dma_start3A_60 : memref<4096xi32, #tpu.memory_space<hbm>>) target(%arg12 : memref<4096xi32, #tpu.memory_space<vmem>>) target_semaphore(%run_scoped3A : memref<!tpu.dma_semaphore, #tpu.memory_space<semaphore_mem>>)
          %dma_wait3A_61 = tpu.memref_slice %arg3[%add3A_55] : memref<6553600xi32, #tpu.memory_space<hbm>> -> memref<4096xi32, #tpu.memory_space<hbm>>
          %dma_wait3A_62 = tpu.memref_slice %arg3[%add3A_55] : memref<6553600xi32, #tpu.memory_space<hbm>> -> memref<4096xi32, #tpu.memory_space<hbm>>
          tpu.wait_dma2 semaphore(%run_scoped3A : memref<!tpu.dma_semaphore, #tpu.memory_space<semaphore_mem>>) src(%dma_wait3A_62 : memref<4096xi32, #tpu.memory_space<hbm>>) dst(%arg12 : memref<4096xi32, #tpu.memory_space<vmem>>)
          tpu.yield
        }) : () -> ()
        %parallel_loop3A_56 = arith.constant 0 : i32
        %parallel_loop3A_57 = arith.constant 4096 : i32
        %parallel_loop3A_58 = arith.constant 16 : i32
        scf.for %parallel_loop3A_59 = %parallel_loop3A_56 to %parallel_loop3A_57 step %parallel_loop3A_58  : i32 {
          %parallel_loop3A_60 = arith.index_cast %parallel_loop3A_59 : i32 to index
          %parallel_loop3A_61 = tpu.vector_load %arg10[%parallel_loop3A_60] {strides = array<i32>} : memref<4096xi32, #tpu.memory_space<vmem>>, vector<16xi32>,
          %parallel_loop3A_62 = tpu.vector_load_idx %arg8[%parallel_loop3A_61] : memref<100000xf32, #tpu.memory_space<vmem>>[vector<16xi32>], vector<16xf32>,
          %parallel_loop3A_63 = arith.index_cast %parallel_loop3A_59 : i32 to index
          %parallel_loop3A_64 = tpu.vector_load %arg14[%parallel_loop3A_63] {strides = array<i32>} : memref<4096xf32, #tpu.memory_space<vmem>>, vector<16xf32>,
          tpu.vector_store %arg14[%parallel_loop3A_63], %parallel_loop3A_62 {strides = array<i32>} : memref<4096xf32, #tpu.memory_space<vmem>>, vector<16xf32>,
        } {sc.loop_unroll_factor = 8 : i64, sc.parallel_access}
      } else {
      }
      %dma_wait3A = arith.constant 0 : i32
      %dma_wait3A_37 = tpu.memref_slice %arg15[%dma_wait3A] : memref<100352xf32, #tpu.memory_space<vmem_shared>> -> memref<100352xf32, #tpu.memory_space<vmem_shared>>
      tpu.wait_indirect_dma semaphore(%arg16 : memref<!tpu.dma_semaphore, #tpu.memory_space<semaphore_mem>>) src(%arg13 : memref<4096xf32, #tpu.memory_space<vmem>>) dst(%dma_wait3A_37 : memref<100352xf32, #tpu.memory_space<vmem_shared>>)
      %add3A_38 = arith.constant 1 : i32
      %add3A_39 = arith.addi %add3A_27, %add3A_38 : i32
      %dma_start3A_40 = arith.constant 0 : i32
      %dma_start3A_41 = tpu.memref_slice %arg15[%dma_start3A_40] : memref<100352xf32, #tpu.memory_space<vmem_shared>> -> memref<100352xf32, #tpu.memory_space<vmem_shared>>
      tpu.enqueue_indirect_dma source(%arg14 : memref<4096xf32, #tpu.memory_space<vmem>>) target(%dma_start3A_41 : memref<100352xf32, #tpu.memory_space<vmem_shared>>) offsets(%arg12 : memref<4096xi32, #tpu.memory_space<vmem>>) semaphore(%arg16 : memref<!tpu.dma_semaphore, #tpu.memory_space<semaphore_mem>>) {add = true}
      %add3A_42 = arith.constant 1 : i32
      %add3A_43 = arith.addi %add3A_39, %add3A_42 : i32
      %lt3A_44 = arith.constant 100 : i32
      %lt3A_45 = arith.cmpi slt, %add3A_43, %lt3A_44 : i32
      %convert_element_type3A_46 = arith.extui %lt3A_45 : i1 to i32
      %cond3A_47 = arith.constant 0 : i32
      %cond3A_48 = arith.cmpi ne, %convert_element_type3A_46, %cond3A_47 : i32
      scf.if %cond3A_48 {
        %add3A_51 = arith.constant 1 : i32
        %add3A_52 = arith.addi %add3A_39, %add3A_51 : i32
        %mul3A_53 = arith.constant 4096 : i32
        %mul3A_54 = arith.muli %add3A_52, %mul3A_53 : i32
        %add3A_55 = arith.addi %mul3A_12, %mul3A_54 : i32
        "tpu.region"() ({
          %run_scoped3A = tpu.sem_alloc : memref<!tpu.dma_semaphore, #tpu.memory_space<semaphore_mem>>
          %dma_start3A_59 = tpu.memref_slice %arg2[%add3A_55] : memref<6553600xi32, #tpu.memory_space<hbm>> -> memref<4096xi32, #tpu.memory_space<hbm>>
          %dma_start3A_60 = tpu.memref_slice %arg2[%add3A_55] : memref<6553600xi32, #tpu.memory_space<hbm>> -> memref<4096xi32, #tpu.memory_space<hbm>>
          tpu.enqueue_dma source(%dma_start3A_60 : memref<4096xi32, #tpu.memory_space<hbm>>) target(%arg9 : memref<4096xi32, #tpu.memory_space<vmem>>) target_semaphore(%run_scoped3A : memref<!tpu.dma_semaphore, #tpu.memory_space<semaphore_mem>>)
          %dma_wait3A_61 = tpu.memref_slice %arg2[%add3A_55] : memref<6553600xi32, #tpu.memory_space<hbm>> -> memref<4096xi32, #tpu.memory_space<hbm>>
          %dma_wait3A_62 = tpu.memref_slice %arg2[%add3A_55] : memref<6553600xi32, #tpu.memory_space<hbm>> -> memref<4096xi32, #tpu.memory_space<hbm>>
          tpu.wait_dma2 semaphore(%run_scoped3A : memref<!tpu.dma_semaphore, #tpu.memory_space<semaphore_mem>>) src(%dma_wait3A_62 : memref<4096xi32, #tpu.memory_space<hbm>>) dst(%arg9 : memref<4096xi32, #tpu.memory_space<vmem>>)
          tpu.yield
        }) : () -> ()
        "tpu.region"() ({
          %run_scoped3A = tpu.sem_alloc : memref<!tpu.dma_semaphore, #tpu.memory_space<semaphore_mem>>
          %dma_start3A_59 = tpu.memref_slice %arg3[%add3A_55] : memref<6553600xi32, #tpu.memory_space<hbm>> -> memref<4096xi32, #tpu.memory_space<hbm>>
          %dma_start3A_60 = tpu.memref_slice %arg3[%add3A_55] : memref<6553600xi32, #tpu.memory_space<hbm>> -> memref<4096xi32, #tpu.memory_space<hbm>>
          tpu.enqueue_dma source(%dma_start3A_60 : memref<4096xi32, #tpu.memory_space<hbm>>) target(%arg11 : memref<4096xi32, #tpu.memory_space<vmem>>) target_semaphore(%run_scoped3A : memref<!tpu.dma_semaphore, #tpu.memory_space<semaphore_mem>>)
          %dma_wait3A_61 = tpu.memref_slice %arg3[%add3A_55] : memref<6553600xi32, #tpu.memory_space<hbm>> -> memref<4096xi32, #tpu.memory_space<hbm>>
          %dma_wait3A_62 = tpu.memref_slice %arg3[%add3A_55] : memref<6553600xi32, #tpu.memory_space<hbm>> -> memref<4096xi32, #tpu.memory_space<hbm>>
          tpu.wait_dma2 semaphore(%run_scoped3A : memref<!tpu.dma_semaphore, #tpu.memory_space<semaphore_mem>>) src(%dma_wait3A_62 : memref<4096xi32, #tpu.memory_space<hbm>>) dst(%arg11 : memref<4096xi32, #tpu.memory_space<vmem>>)
          tpu.yield
        }) : () -> ()
        %parallel_loop3A_56 = arith.constant 0 : i32
        %parallel_loop3A_57 = arith.constant 4096 : i32
        %parallel_loop3A_58 = arith.constant 16 : i32
        scf.for %parallel_loop3A_59 = %parallel_loop3A_56 to %parallel_loop3A_57 step %parallel_loop3A_58  : i32 {
          %parallel_loop3A_60 = arith.index_cast %parallel_loop3A_59 : i32 to index
          %parallel_loop3A_61 = tpu.vector_load %arg9[%parallel_loop3A_60] {strides = array<i32>} : memref<4096xi32, #tpu.memory_space<vmem>>, vector<16xi32>,
          %parallel_loop3A_62 = tpu.vector_load_idx %arg8[%parallel_loop3A_61] : memref<100000xf32, #tpu.memory_space<vmem>>[vector<16xi32>], vector<16xf32>,
          %parallel_loop3A_63 = arith.index_cast %parallel_loop3A_59 : i32 to index
          %parallel_loop3A_64 = tpu.vector_load %arg13[%parallel_loop3A_63] {strides = array<i32>} : memref<4096xf32, #tpu.memory_space<vmem>>, vector<16xf32>,
          tpu.vector_store %arg13[%parallel_loop3A_63], %parallel_loop3A_62 {strides = array<i32>} : memref<4096xf32, #tpu.memory_space<vmem>>, vector<16xf32>,
        } {sc.loop_unroll_factor = 8 : i64, sc.parallel_access}
      } else {
      }
      %dma_wait3A_49 = arith.constant 0 : i32
      %dma_wait3A_50 = tpu.memref_slice %arg15[%dma_wait3A_49] : memref<100352xf32, #tpu.memory_space<vmem_shared>> -> memref<100352xf32, #tpu.memory_space<vmem_shared>>
      tpu.wait_indirect_dma semaphore(%arg16 : memref<!tpu.dma_semaphore, #tpu.memory_space<semaphore_mem>>) src(%arg14 : memref<4096xf32, #tpu.memory_space<vmem>>) dst(%dma_wait3A_50 : memref<100352xf32, #tpu.memory_space<vmem_shared>>)
    }
    %scan3A_18 = arith.constant 50 : i32
    %barrier3A_19 = arith.constant 0 : index
    tpu.barrier barrier_id(%barrier3A_19)
    %mul3A_20 = arith.constant 6272 : i32
    %mul3A_21 = arith.muli %arg1, %mul3A_20 : i32
    %mul3A_22 = arith.constant 6272 : i32
    %mul3A_23 = arith.muli %arg1, %mul3A_22 : i32
    "tpu.region"() ({
      %run_scoped3A = tpu.sem_alloc : memref<!tpu.dma_semaphore, #tpu.memory_space<semaphore_mem>>
      %dma_start3A = tpu.memref_slice %arg7[%arg0, %mul3A_23] : memref<2x100352xf32, #tpu.memory_space<hbm>> -> memref<1x6272xf32, #tpu.memory_space<hbm>>
      %dma_start3A_24 = tpu.memref_squeeze %dma_start3A : memref<1x6272xf32, #tpu.memory_space<hbm>> -> memref<6272xf32, #tpu.memory_space<hbm>>
      %dma_start3A_25 = tpu.memref_slice %arg15[%mul3A_21] : memref<100352xf32, #tpu.memory_space<vmem_shared>> -> memref<6272xf32, #tpu.memory_space<vmem_shared>>
      tpu.enqueue_dma source(%dma_start3A_25 : memref<6272xf32, #tpu.memory_space<vmem_shared>>) target(%dma_start3A_24 : memref<6272xf32, #tpu.memory_space<hbm>>) target_semaphore(%run_scoped3A : memref<!tpu.dma_semaphore, #tpu.memory_space<semaphore_mem>>)
      %dma_wait3A = tpu.memref_slice %arg7[%arg0, %mul3A_23] : memref<2x100352xf32, #tpu.memory_space<hbm>> -> memref<1x6272xf32, #tpu.memory_space<hbm>>
      %dma_wait3A_26 = tpu.memref_squeeze %dma_wait3A : memref<1x6272xf32, #tpu.memory_space<hbm>> -> memref<6272xf32, #tpu.memory_space<hbm>>
      %dma_wait3A_27 = tpu.memref_slice %arg15[%mul3A_21] : memref<100352xf32, #tpu.memory_space<vmem_shared>> -> memref<6272xf32, #tpu.memory_space<vmem_shared>>
      tpu.wait_dma2 semaphore(%run_scoped3A : memref<!tpu.dma_semaphore, #tpu.memory_space<semaphore_mem>>) src(%dma_wait3A_27 : memref<6272xf32, #tpu.memory_space<vmem_shared>>) dst(%dma_wait3A_26 : memref<6272xf32, #tpu.memory_space<hbm>>)
      tpu.yield
    }) : () -> ()
    return
  }
}

module attributes {stable_mosaic.version = 14 : i64} {
  func.func @_tc_prep_body(%arg0: memref<784x128xf32, #tpu.memory_space<vmem>>, %arg1: memref<784x128xf32, #tpu.memory_space<vmem>>, %arg2: memref<784x128xf32, #tpu.memory_space<vmem>>, %arg3: memref<784x128xf32, #tpu.memory_space<vmem>>, %arg4: memref<784x128xf32, #tpu.memory_space<vmem>>) attributes {dimension_semantics = [], scalar_prefetch = 0 : i64, scratch_operands = 0 : i64, tpu.core_type = #tpu.core_type<tc>} {
    %get3A = arith.constant 0 : index
    %get3A_0 = arith.constant 0 : index
    %get3A_1 = vector.load %arg0[%get3A, %get3A_0] : memref<784x128xf32, #tpu.memory_space<vmem>>, vector<784x128xf32>
    %get3A_2 = arith.constant 0 : index
    %get3A_3 = arith.constant 0 : index
    %get3A_4 = vector.load %arg1[%get3A_2, %get3A_3] : memref<784x128xf32, #tpu.memory_space<vmem>>, vector<784x128xf32>
    %add3A = arith.addf %get3A_1, %get3A_4 : vector<784x128xf32>
    %add3A_5 = arith.constant 1.000000e+00 : f32
    %add3A_6 = vector.broadcast %add3A_5 : f32 to vector<784x128xf32>
    %add3A_7 = arith.addf %add3A, %add3A_6 : vector<784x128xf32>
    %rsqrt3A = math.rsqrt %add3A_7 : vector<784x128xf32>
    %swap3A = arith.constant 0 : index
    %swap3A_8 = arith.constant 0 : index
    %swap3A_9 = vector.load %arg3[%swap3A, %swap3A_8] : memref<784x128xf32, #tpu.memory_space<vmem>>, vector<784x128xf32>
    tpu.vector_store %arg3[%swap3A, %swap3A_8], %rsqrt3A {strides = array<i32>} : memref<784x128xf32, #tpu.memory_space<vmem>>, vector<784x128xf32>,
    %get3A_10 = arith.constant 0 : index
    %get3A_11 = arith.constant 0 : index
    %get3A_12 = vector.load %arg2[%get3A_10, %get3A_11] : memref<784x128xf32, #tpu.memory_space<vmem>>, vector<784x128xf32>
    %mul3A = arith.mulf %rsqrt3A, %get3A_12 : vector<784x128xf32>
    %swap3A_13 = arith.constant 0 : index
    %swap3A_14 = arith.constant 0 : index
    %swap3A_15 = vector.load %arg4[%swap3A_13, %swap3A_14] : memref<784x128xf32, #tpu.memory_space<vmem>>, vector<784x128xf32>
    tpu.vector_store %arg4[%swap3A_13, %swap3A_14], %mul3A {strides = array<i32>} : memref<784x128xf32, #tpu.memory_space<vmem>>, vector<784x128xf32>,
    return
  }
}

module attributes {stable_mosaic.version = 14 : i64} {
  func.func @_tc_mid_body(%arg0: memref<784x128xf32, #tpu.memory_space<vmem>>, %arg1: memref<784x128xf32, #tpu.memory_space<vmem>>, %arg2: memref<784x128xf32, #tpu.memory_space<vmem>>, %arg3: memref<784x128xf32, #tpu.memory_space<vmem>>, %arg4: memref<1x16xf32, #tpu.memory_space<smem>>, %arg5: memref<16xf32, #tpu.memory_space<smem>>, %arg6: memref<16x2xf32, #tpu.memory_space<smem>>, %arg7: memref<784x128xf32, #tpu.memory_space<vmem>>, %arg8: memref<784x128xf32, #tpu.memory_space<vmem>>) attributes {dimension_semantics = [], scalar_prefetch = 0 : i64, scratch_operands = 0 : i64, tpu.core_type = #tpu.core_type<tc>} {
    %get3A = arith.constant 0 : index
    %get3A_0 = arith.constant 0 : index
    %get3A_1 = vector.load %arg2[%get3A, %get3A_0] : memref<784x128xf32, #tpu.memory_space<vmem>>, vector<784x128xf32>
    %get3A_2 = arith.constant 0 : index
    %get3A_3 = arith.constant 0 : index
    %get3A_4 = vector.load %arg0[%get3A_2, %get3A_3] : memref<784x128xf32, #tpu.memory_space<vmem>>, vector<784x128xf32>
    %get3A_5 = arith.constant 0 : index
    %get3A_6 = arith.constant 0 : index
    %get3A_7 = vector.load %arg1[%get3A_5, %get3A_6] : memref<784x128xf32, #tpu.memory_space<vmem>>, vector<784x128xf32>
    %add3A = arith.addf %get3A_4, %get3A_7 : vector<784x128xf32>
    %get3A_8 = arith.constant 0 : index
    %get3A_9 = arith.constant 0 : index
    %get3A_10 = vector.load %arg3[%get3A_8, %get3A_9] : memref<784x128xf32, #tpu.memory_space<vmem>>, vector<784x128xf32>
    %add3A_11 = arith.addf %add3A, %get3A_10 : vector<784x128xf32>
    %mul3A = arith.mulf %get3A_1, %add3A_11 : vector<784x128xf32>
    %broadcast_in_dim3A = arith.constant 0.000000e+00 : f32
    %broadcast_in_dim3A_12 = vector.broadcast %broadcast_in_dim3A : f32 to vector<784x128xf32>
    %broadcast_in_dim3A_13 = arith.constant 0.000000e+00 : f32
    %broadcast_in_dim3A_14 = vector.broadcast %broadcast_in_dim3A_13 : f32 to vector<784x128xf32>
    %get3A_15 = arith.constant 0 : index
    %get3A_16 = arith.constant 0 : index
    %get3A_17 = memref.load %arg4[%get3A_15, %get3A_16] : memref<1x16xf32, #tpu.memory_space<smem>>
    %mul3A_18 = vector.broadcast %get3A_17 : f32 to vector<784x128xf32>
    %mul3A_19 = arith.mulf %mul3A, %mul3A_18 : vector<784x128xf32>
    %get3A_20 = arith.constant 0 : index
    %get3A_21 = memref.load %arg5[%get3A_20] : memref<16xf32, #tpu.memory_space<smem>>
    %add3A_22 = vector.broadcast %get3A_21 : f32 to vector<784x128xf32>
    %add3A_23 = arith.addf %mul3A_19, %add3A_22 : vector<784x128xf32>
    %max3A = arith.constant 0.000000e+00 : f32
    %max3A_24 = vector.broadcast %max3A : f32 to vector<784x128xf32>
    %max3A_25 = arith.maximumf %add3A_23, %max3A_24 : vector<784x128xf32>
    %get3A_26 = arith.constant 0 : index
    %get3A_27 = arith.constant 0 : index
    %get3A_28 = memref.load %arg6[%get3A_26, %get3A_27] : memref<16x2xf32, #tpu.memory_space<smem>>
    %mul3A_29 = vector.broadcast %get3A_28 : f32 to vector<784x128xf32>
    %mul3A_30 = arith.mulf %max3A_25, %mul3A_29 : vector<784x128xf32>
    %add3A_31 = arith.addf %broadcast_in_dim3A_12, %mul3A_30 : vector<784x128xf32>
    %get3A_32 = arith.constant 0 : index
    %get3A_33 = arith.constant 1 : index
    %get3A_34 = memref.load %arg6[%get3A_32, %get3A_33] : memref<16x2xf32, #tpu.memory_space<smem>>
    %mul3A_35 = vector.broadcast %get3A_34 : f32 to vector<784x128xf32>
    %mul3A_36 = arith.mulf %max3A_25, %mul3A_35 : vector<784x128xf32>
    %add3A_37 = arith.addf %broadcast_in_dim3A_14, %mul3A_36 : vector<784x128xf32>
    %get3A_38 = arith.constant 0 : index
    %get3A_39 = arith.constant 1 : index
    %get3A_40 = memref.load %arg4[%get3A_38, %get3A_39] : memref<1x16xf32, #tpu.memory_space<smem>>
    %mul3A_41 = vector.broadcast %get3A_40 : f32 to vector<784x128xf32>
    %mul3A_42 = arith.mulf %mul3A, %mul3A_41 : vector<784x128xf32>
    %get3A_43 = arith.constant 1 : index
    %get3A_44 = memref.load %arg5[%get3A_43] : memref<16xf32, #tpu.memory_space<smem>>
    %add3A_45 = vector.broadcast %get3A_44 : f32 to vector<784x128xf32>
    %add3A_46 = arith.addf %mul3A_42, %add3A_45 : vector<784x128xf32>
    %max3A_47 = arith.constant 0.000000e+00 : f32
    %max3A_48 = vector.broadcast %max3A_47 : f32 to vector<784x128xf32>
    %max3A_49 = arith.maximumf %add3A_46, %max3A_48 : vector<784x128xf32>
    %get3A_50 = arith.constant 1 : index
    %get3A_51 = arith.constant 0 : index
    %get3A_52 = memref.load %arg6[%get3A_50, %get3A_51] : memref<16x2xf32, #tpu.memory_space<smem>>
    %mul3A_53 = vector.broadcast %get3A_52 : f32 to vector<784x128xf32>
    %mul3A_54 = arith.mulf %max3A_49, %mul3A_53 : vector<784x128xf32>
    %add3A_55 = arith.addf %add3A_31, %mul3A_54 : vector<784x128xf32>
    %get3A_56 = arith.constant 1 : index
    %get3A_57 = arith.constant 1 : index
    %get3A_58 = memref.load %arg6[%get3A_56, %get3A_57] : memref<16x2xf32, #tpu.memory_space<smem>>
    %mul3A_59 = vector.broadcast %get3A_58 : f32 to vector<784x128xf32>
    %mul3A_60 = arith.mulf %max3A_49, %mul3A_59 : vector<784x128xf32>
    %add3A_61 = arith.addf %add3A_37, %mul3A_60 : vector<784x128xf32>
    %get3A_62 = arith.constant 0 : index
    %get3A_63 = arith.constant 2 : index
    %get3A_64 = memref.load %arg4[%get3A_62, %get3A_63] : memref<1x16xf32, #tpu.memory_space<smem>>
    %mul3A_65 = vector.broadcast %get3A_64 : f32 to vector<784x128xf32>
    %mul3A_66 = arith.mulf %mul3A, %mul3A_65 : vector<784x128xf32>
    %get3A_67 = arith.constant 2 : index
    %get3A_68 = memref.load %arg5[%get3A_67] : memref<16xf32, #tpu.memory_space<smem>>
    %add3A_69 = vector.broadcast %get3A_68 : f32 to vector<784x128xf32>
    %add3A_70 = arith.addf %mul3A_66, %add3A_69 : vector<784x128xf32>
    %max3A_71 = arith.constant 0.000000e+00 : f32
    %max3A_72 = vector.broadcast %max3A_71 : f32 to vector<784x128xf32>
    %max3A_73 = arith.maximumf %add3A_70, %max3A_72 : vector<784x128xf32>
    %get3A_74 = arith.constant 2 : index
    %get3A_75 = arith.constant 0 : index
    %get3A_76 = memref.load %arg6[%get3A_74, %get3A_75] : memref<16x2xf32, #tpu.memory_space<smem>>
    %mul3A_77 = vector.broadcast %get3A_76 : f32 to vector<784x128xf32>
    %mul3A_78 = arith.mulf %max3A_73, %mul3A_77 : vector<784x128xf32>
    %add3A_79 = arith.addf %add3A_55, %mul3A_78 : vector<784x128xf32>
    %get3A_80 = arith.constant 2 : index
    %get3A_81 = arith.constant 1 : index
    %get3A_82 = memref.load %arg6[%get3A_80, %get3A_81] : memref<16x2xf32, #tpu.memory_space<smem>>
    %mul3A_83 = vector.broadcast %get3A_82 : f32 to vector<784x128xf32>
    %mul3A_84 = arith.mulf %max3A_73, %mul3A_83 : vector<784x128xf32>
    %add3A_85 = arith.addf %add3A_61, %mul3A_84 : vector<784x128xf32>
    %get3A_86 = arith.constant 0 : index
    %get3A_87 = arith.constant 3 : index
    %get3A_88 = memref.load %arg4[%get3A_86, %get3A_87] : memref<1x16xf32, #tpu.memory_space<smem>>
    %mul3A_89 = vector.broadcast %get3A_88 : f32 to vector<784x128xf32>
    %mul3A_90 = arith.mulf %mul3A, %mul3A_89 : vector<784x128xf32>
    %get3A_91 = arith.constant 3 : index
    %get3A_92 = memref.load %arg5[%get3A_91] : memref<16xf32, #tpu.memory_space<smem>>
    %add3A_93 = vector.broadcast %get3A_92 : f32 to vector<784x128xf32>
    %add3A_94 = arith.addf %mul3A_90, %add3A_93 : vector<784x128xf32>
    %max3A_95 = arith.constant 0.000000e+00 : f32
    %max3A_96 = vector.broadcast %max3A_95 : f32 to vector<784x128xf32>
    %max3A_97 = arith.maximumf %add3A_94, %max3A_96 : vector<784x128xf32>
    %get3A_98 = arith.constant 3 : index
    %get3A_99 = arith.constant 0 : index
    %get3A_100 = memref.load %arg6[%get3A_98, %get3A_99] : memref<16x2xf32, #tpu.memory_space<smem>>
    %mul3A_101 = vector.broadcast %get3A_100 : f32 to vector<784x128xf32>
    %mul3A_102 = arith.mulf %max3A_97, %mul3A_101 : vector<784x128xf32>
    %add3A_103 = arith.addf %add3A_79, %mul3A_102 : vector<784x128xf32>
    %get3A_104 = arith.constant 3 : index
    %get3A_105 = arith.constant 1 : index
    %get3A_106 = memref.load %arg6[%get3A_104, %get3A_105] : memref<16x2xf32, #tpu.memory_space<smem>>
    %mul3A_107 = vector.broadcast %get3A_106 : f32 to vector<784x128xf32>
    %mul3A_108 = arith.mulf %max3A_97, %mul3A_107 : vector<784x128xf32>
    %add3A_109 = arith.addf %add3A_85, %mul3A_108 : vector<784x128xf32>
    %get3A_110 = arith.constant 0 : index
    %get3A_111 = arith.constant 4 : index
    %get3A_112 = memref.load %arg4[%get3A_110, %get3A_111] : memref<1x16xf32, #tpu.memory_space<smem>>
    %mul3A_113 = vector.broadcast %get3A_112 : f32 to vector<784x128xf32>
    %mul3A_114 = arith.mulf %mul3A, %mul3A_113 : vector<784x128xf32>
    %get3A_115 = arith.constant 4 : index
    %get3A_116 = memref.load %arg5[%get3A_115] : memref<16xf32, #tpu.memory_space<smem>>
    %add3A_117 = vector.broadcast %get3A_116 : f32 to vector<784x128xf32>
    %add3A_118 = arith.addf %mul3A_114, %add3A_117 : vector<784x128xf32>
    %max3A_119 = arith.constant 0.000000e+00 : f32
    %max3A_120 = vector.broadcast %max3A_119 : f32 to vector<784x128xf32>
    %max3A_121 = arith.maximumf %add3A_118, %max3A_120 : vector<784x128xf32>
    %get3A_122 = arith.constant 4 : index
    %get3A_123 = arith.constant 0 : index
    %get3A_124 = memref.load %arg6[%get3A_122, %get3A_123] : memref<16x2xf32, #tpu.memory_space<smem>>
    %mul3A_125 = vector.broadcast %get3A_124 : f32 to vector<784x128xf32>
    %mul3A_126 = arith.mulf %max3A_121, %mul3A_125 : vector<784x128xf32>
    %add3A_127 = arith.addf %add3A_103, %mul3A_126 : vector<784x128xf32>
    %get3A_128 = arith.constant 4 : index
    %get3A_129 = arith.constant 1 : index
    %get3A_130 = memref.load %arg6[%get3A_128, %get3A_129] : memref<16x2xf32, #tpu.memory_space<smem>>
    %mul3A_131 = vector.broadcast %get3A_130 : f32 to vector<784x128xf32>
    %mul3A_132 = arith.mulf %max3A_121, %mul3A_131 : vector<784x128xf32>
    %add3A_133 = arith.addf %add3A_109, %mul3A_132 : vector<784x128xf32>
    %get3A_134 = arith.constant 0 : index
    %get3A_135 = arith.constant 5 : index
    %get3A_136 = memref.load %arg4[%get3A_134, %get3A_135] : memref<1x16xf32, #tpu.memory_space<smem>>
    %mul3A_137 = vector.broadcast %get3A_136 : f32 to vector<784x128xf32>
    %mul3A_138 = arith.mulf %mul3A, %mul3A_137 : vector<784x128xf32>
    %get3A_139 = arith.constant 5 : index
    %get3A_140 = memref.load %arg5[%get3A_139] : memref<16xf32, #tpu.memory_space<smem>>
    %add3A_141 = vector.broadcast %get3A_140 : f32 to vector<784x128xf32>
    %add3A_142 = arith.addf %mul3A_138, %add3A_141 : vector<784x128xf32>
    %max3A_143 = arith.constant 0.000000e+00 : f32
    %max3A_144 = vector.broadcast %max3A_143 : f32 to vector<784x128xf32>
    %max3A_145 = arith.maximumf %add3A_142, %max3A_144 : vector<784x128xf32>
    %get3A_146 = arith.constant 5 : index
    %get3A_147 = arith.constant 0 : index
    %get3A_148 = memref.load %arg6[%get3A_146, %get3A_147] : memref<16x2xf32, #tpu.memory_space<smem>>
    %mul3A_149 = vector.broadcast %get3A_148 : f32 to vector<784x128xf32>
    %mul3A_150 = arith.mulf %max3A_145, %mul3A_149 : vector<784x128xf32>
    %add3A_151 = arith.addf %add3A_127, %mul3A_150 : vector<784x128xf32>
    %get3A_152 = arith.constant 5 : index
    %get3A_153 = arith.constant 1 : index
    %get3A_154 = memref.load %arg6[%get3A_152, %get3A_153] : memref<16x2xf32, #tpu.memory_space<smem>>
    %mul3A_155 = vector.broadcast %get3A_154 : f32 to vector<784x128xf32>
    %mul3A_156 = arith.mulf %max3A_145, %mul3A_155 : vector<784x128xf32>
    %add3A_157 = arith.addf %add3A_133, %mul3A_156 : vector<784x128xf32>
    %get3A_158 = arith.constant 0 : index
    %get3A_159 = arith.constant 6 : index
    %get3A_160 = memref.load %arg4[%get3A_158, %get3A_159] : memref<1x16xf32, #tpu.memory_space<smem>>
    %mul3A_161 = vector.broadcast %get3A_160 : f32 to vector<784x128xf32>
    %mul3A_162 = arith.mulf %mul3A, %mul3A_161 : vector<784x128xf32>
    %get3A_163 = arith.constant 6 : index
    %get3A_164 = memref.load %arg5[%get3A_163] : memref<16xf32, #tpu.memory_space<smem>>
    %add3A_165 = vector.broadcast %get3A_164 : f32 to vector<784x128xf32>
    %add3A_166 = arith.addf %mul3A_162, %add3A_165 : vector<784x128xf32>
    %max3A_167 = arith.constant 0.000000e+00 : f32
    %max3A_168 = vector.broadcast %max3A_167 : f32 to vector<784x128xf32>
    %max3A_169 = arith.maximumf %add3A_166, %max3A_168 : vector<784x128xf32>
    %get3A_170 = arith.constant 6 : index
    %get3A_171 = arith.constant 0 : index
    %get3A_172 = memref.load %arg6[%get3A_170, %get3A_171] : memref<16x2xf32, #tpu.memory_space<smem>>
    %mul3A_173 = vector.broadcast %get3A_172 : f32 to vector<784x128xf32>
    %mul3A_174 = arith.mulf %max3A_169, %mul3A_173 : vector<784x128xf32>
    %add3A_175 = arith.addf %add3A_151, %mul3A_174 : vector<784x128xf32>
    %get3A_176 = arith.constant 6 : index
    %get3A_177 = arith.constant 1 : index
    %get3A_178 = memref.load %arg6[%get3A_176, %get3A_177] : memref<16x2xf32, #tpu.memory_space<smem>>
    %mul3A_179 = vector.broadcast %get3A_178 : f32 to vector<784x128xf32>
    %mul3A_180 = arith.mulf %max3A_169, %mul3A_179 : vector<784x128xf32>
    %add3A_181 = arith.addf %add3A_157, %mul3A_180 : vector<784x128xf32>
    %get3A_182 = arith.constant 0 : index
    %get3A_183 = arith.constant 7 : index
    %get3A_184 = memref.load %arg4[%get3A_182, %get3A_183] : memref<1x16xf32, #tpu.memory_space<smem>>
    %mul3A_185 = vector.broadcast %get3A_184 : f32 to vector<784x128xf32>
    %mul3A_186 = arith.mulf %mul3A, %mul3A_185 : vector<784x128xf32>
    %get3A_187 = arith.constant 7 : index
    %get3A_188 = memref.load %arg5[%get3A_187] : memref<16xf32, #tpu.memory_space<smem>>
    %add3A_189 = vector.broadcast %get3A_188 : f32 to vector<784x128xf32>
    %add3A_190 = arith.addf %mul3A_186, %add3A_189 : vector<784x128xf32>
    %max3A_191 = arith.constant 0.000000e+00 : f32
    %max3A_192 = vector.broadcast %max3A_191 : f32 to vector<784x128xf32>
    %max3A_193 = arith.maximumf %add3A_190, %max3A_192 : vector<784x128xf32>
    %get3A_194 = arith.constant 7 : index
    %get3A_195 = arith.constant 0 : index
    %get3A_196 = memref.load %arg6[%get3A_194, %get3A_195] : memref<16x2xf32, #tpu.memory_space<smem>>
    %mul3A_197 = vector.broadcast %get3A_196 : f32 to vector<784x128xf32>
    %mul3A_198 = arith.mulf %max3A_193, %mul3A_197 : vector<784x128xf32>
    %add3A_199 = arith.addf %add3A_175, %mul3A_198 : vector<784x128xf32>
    %get3A_200 = arith.constant 7 : index
    %get3A_201 = arith.constant 1 : index
    %get3A_202 = memref.load %arg6[%get3A_200, %get3A_201] : memref<16x2xf32, #tpu.memory_space<smem>>
    %mul3A_203 = vector.broadcast %get3A_202 : f32 to vector<784x128xf32>
    %mul3A_204 = arith.mulf %max3A_193, %mul3A_203 : vector<784x128xf32>
    %add3A_205 = arith.addf %add3A_181, %mul3A_204 : vector<784x128xf32>
    %get3A_206 = arith.constant 0 : index
    %get3A_207 = arith.constant 8 : index
    %get3A_208 = memref.load %arg4[%get3A_206, %get3A_207] : memref<1x16xf32, #tpu.memory_space<smem>>
    %mul3A_209 = vector.broadcast %get3A_208 : f32 to vector<784x128xf32>
    %mul3A_210 = arith.mulf %mul3A, %mul3A_209 : vector<784x128xf32>
    %get3A_211 = arith.constant 8 : index
    %get3A_212 = memref.load %arg5[%get3A_211] : memref<16xf32, #tpu.memory_space<smem>>
    %add3A_213 = vector.broadcast %get3A_212 : f32 to vector<784x128xf32>
    %add3A_214 = arith.addf %mul3A_210, %add3A_213 : vector<784x128xf32>
    %max3A_215 = arith.constant 0.000000e+00 : f32
    %max3A_216 = vector.broadcast %max3A_215 : f32 to vector<784x128xf32>
    %max3A_217 = arith.maximumf %add3A_214, %max3A_216 : vector<784x128xf32>
    %get3A_218 = arith.constant 8 : index
    %get3A_219 = arith.constant 0 : index
    %get3A_220 = memref.load %arg6[%get3A_218, %get3A_219] : memref<16x2xf32, #tpu.memory_space<smem>>
    %mul3A_221 = vector.broadcast %get3A_220 : f32 to vector<784x128xf32>
    %mul3A_222 = arith.mulf %max3A_217, %mul3A_221 : vector<784x128xf32>
    %add3A_223 = arith.addf %add3A_199, %mul3A_222 : vector<784x128xf32>
    %get3A_224 = arith.constant 8 : index
    %get3A_225 = arith.constant 1 : index
    %get3A_226 = memref.load %arg6[%get3A_224, %get3A_225] : memref<16x2xf32, #tpu.memory_space<smem>>
    %mul3A_227 = vector.broadcast %get3A_226 : f32 to vector<784x128xf32>
    %mul3A_228 = arith.mulf %max3A_217, %mul3A_227 : vector<784x128xf32>
    %add3A_229 = arith.addf %add3A_205, %mul3A_228 : vector<784x128xf32>
    %get3A_230 = arith.constant 0 : index
    %get3A_231 = arith.constant 9 : index
    %get3A_232 = memref.load %arg4[%get3A_230, %get3A_231] : memref<1x16xf32, #tpu.memory_space<smem>>
    %mul3A_233 = vector.broadcast %get3A_232 : f32 to vector<784x128xf32>
    %mul3A_234 = arith.mulf %mul3A, %mul3A_233 : vector<784x128xf32>
    %get3A_235 = arith.constant 9 : index
    %get3A_236 = memref.load %arg5[%get3A_235] : memref<16xf32, #tpu.memory_space<smem>>
    %add3A_237 = vector.broadcast %get3A_236 : f32 to vector<784x128xf32>
    %add3A_238 = arith.addf %mul3A_234, %add3A_237 : vector<784x128xf32>
    %max3A_239 = arith.constant 0.000000e+00 : f32
    %max3A_240 = vector.broadcast %max3A_239 : f32 to vector<784x128xf32>
    %max3A_241 = arith.maximumf %add3A_238, %max3A_240 : vector<784x128xf32>
    %get3A_242 = arith.constant 9 : index
    %get3A_243 = arith.constant 0 : index
    %get3A_244 = memref.load %arg6[%get3A_242, %get3A_243] : memref<16x2xf32, #tpu.memory_space<smem>>
    %mul3A_245 = vector.broadcast %get3A_244 : f32 to vector<784x128xf32>
    %mul3A_246 = arith.mulf %max3A_241, %mul3A_245 : vector<784x128xf32>
    %add3A_247 = arith.addf %add3A_223, %mul3A_246 : vector<784x128xf32>
    %get3A_248 = arith.constant 9 : index
    %get3A_249 = arith.constant 1 : index
    %get3A_250 = memref.load %arg6[%get3A_248, %get3A_249] : memref<16x2xf32, #tpu.memory_space<smem>>
    %mul3A_251 = vector.broadcast %get3A_250 : f32 to vector<784x128xf32>
    %mul3A_252 = arith.mulf %max3A_241, %mul3A_251 : vector<784x128xf32>
    %add3A_253 = arith.addf %add3A_229, %mul3A_252 : vector<784x128xf32>
    %get3A_254 = arith.constant 0 : index
    %get3A_255 = arith.constant 10 : index
    %get3A_256 = memref.load %arg4[%get3A_254, %get3A_255] : memref<1x16xf32, #tpu.memory_space<smem>>
    %mul3A_257 = vector.broadcast %get3A_256 : f32 to vector<784x128xf32>
    %mul3A_258 = arith.mulf %mul3A, %mul3A_257 : vector<784x128xf32>
    %get3A_259 = arith.constant 10 : index
    %get3A_260 = memref.load %arg5[%get3A_259] : memref<16xf32, #tpu.memory_space<smem>>
    %add3A_261 = vector.broadcast %get3A_260 : f32 to vector<784x128xf32>
    %add3A_262 = arith.addf %mul3A_258, %add3A_261 : vector<784x128xf32>
    %max3A_263 = arith.constant 0.000000e+00 : f32
    %max3A_264 = vector.broadcast %max3A_263 : f32 to vector<784x128xf32>
    %max3A_265 = arith.maximumf %add3A_262, %max3A_264 : vector<784x128xf32>
    %get3A_266 = arith.constant 10 : index
    %get3A_267 = arith.constant 0 : index
    %get3A_268 = memref.load %arg6[%get3A_266, %get3A_267] : memref<16x2xf32, #tpu.memory_space<smem>>
    %mul3A_269 = vector.broadcast %get3A_268 : f32 to vector<784x128xf32>
    %mul3A_270 = arith.mulf %max3A_265, %mul3A_269 : vector<784x128xf32>
    %add3A_271 = arith.addf %add3A_247, %mul3A_270 : vector<784x128xf32>
    %get3A_272 = arith.constant 10 : index
    %get3A_273 = arith.constant 1 : index
    %get3A_274 = memref.load %arg6[%get3A_272, %get3A_273] : memref<16x2xf32, #tpu.memory_space<smem>>
    %mul3A_275 = vector.broadcast %get3A_274 : f32 to vector<784x128xf32>
    %mul3A_276 = arith.mulf %max3A_265, %mul3A_275 : vector<784x128xf32>
    %add3A_277 = arith.addf %add3A_253, %mul3A_276 : vector<784x128xf32>
    %get3A_278 = arith.constant 0 : index
    %get3A_279 = arith.constant 11 : index
    %get3A_280 = memref.load %arg4[%get3A_278, %get3A_279] : memref<1x16xf32, #tpu.memory_space<smem>>
    %mul3A_281 = vector.broadcast %get3A_280 : f32 to vector<784x128xf32>
    %mul3A_282 = arith.mulf %mul3A, %mul3A_281 : vector<784x128xf32>
    %get3A_283 = arith.constant 11 : index
    %get3A_284 = memref.load %arg5[%get3A_283] : memref<16xf32, #tpu.memory_space<smem>>
    %add3A_285 = vector.broadcast %get3A_284 : f32 to vector<784x128xf32>
    %add3A_286 = arith.addf %mul3A_282, %add3A_285 : vector<784x128xf32>
    %max3A_287 = arith.constant 0.000000e+00 : f32
    %max3A_288 = vector.broadcast %max3A_287 : f32 to vector<784x128xf32>
    %max3A_289 = arith.maximumf %add3A_286, %max3A_288 : vector<784x128xf32>
    %get3A_290 = arith.constant 11 : index
    %get3A_291 = arith.constant 0 : index
    %get3A_292 = memref.load %arg6[%get3A_290, %get3A_291] : memref<16x2xf32, #tpu.memory_space<smem>>
    %mul3A_293 = vector.broadcast %get3A_292 : f32 to vector<784x128xf32>
    %mul3A_294 = arith.mulf %max3A_289, %mul3A_293 : vector<784x128xf32>
    %add3A_295 = arith.addf %add3A_271, %mul3A_294 : vector<784x128xf32>
    %get3A_296 = arith.constant 11 : index
    %get3A_297 = arith.constant 1 : index
    %get3A_298 = memref.load %arg6[%get3A_296, %get3A_297] : memref<16x2xf32, #tpu.memory_space<smem>>
    %mul3A_299 = vector.broadcast %get3A_298 : f32 to vector<784x128xf32>
    %mul3A_300 = arith.mulf %max3A_289, %mul3A_299 : vector<784x128xf32>
    %add3A_301 = arith.addf %add3A_277, %mul3A_300 : vector<784x128xf32>
    %get3A_302 = arith.constant 0 : index
    %get3A_303 = arith.constant 12 : index
    %get3A_304 = memref.load %arg4[%get3A_302, %get3A_303] : memref<1x16xf32, #tpu.memory_space<smem>>
    %mul3A_305 = vector.broadcast %get3A_304 : f32 to vector<784x128xf32>
    %mul3A_306 = arith.mulf %mul3A, %mul3A_305 : vector<784x128xf32>
    %get3A_307 = arith.constant 12 : index
    %get3A_308 = memref.load %arg5[%get3A_307] : memref<16xf32, #tpu.memory_space<smem>>
    %add3A_309 = vector.broadcast %get3A_308 : f32 to vector<784x128xf32>
    %add3A_310 = arith.addf %mul3A_306, %add3A_309 : vector<784x128xf32>
    %max3A_311 = arith.constant 0.000000e+00 : f32
    %max3A_312 = vector.broadcast %max3A_311 : f32 to vector<784x128xf32>
    %max3A_313 = arith.maximumf %add3A_310, %max3A_312 : vector<784x128xf32>
    %get3A_314 = arith.constant 12 : index
    %get3A_315 = arith.constant 0 : index
    %get3A_316 = memref.load %arg6[%get3A_314, %get3A_315] : memref<16x2xf32, #tpu.memory_space<smem>>
    %mul3A_317 = vector.broadcast %get3A_316 : f32 to vector<784x128xf32>
    %mul3A_318 = arith.mulf %max3A_313, %mul3A_317 : vector<784x128xf32>
    %add3A_319 = arith.addf %add3A_295, %mul3A_318 : vector<784x128xf32>
    %get3A_320 = arith.constant 12 : index
    %get3A_321 = arith.constant 1 : index
    %get3A_322 = memref.load %arg6[%get3A_320, %get3A_321] : memref<16x2xf32, #tpu.memory_space<smem>>
    %mul3A_323 = vector.broadcast %get3A_322 : f32 to vector<784x128xf32>
    %mul3A_324 = arith.mulf %max3A_313, %mul3A_323 : vector<784x128xf32>
    %add3A_325 = arith.addf %add3A_301, %mul3A_324 : vector<784x128xf32>
    %get3A_326 = arith.constant 0 : index
    %get3A_327 = arith.constant 13 : index
    %get3A_328 = memref.load %arg4[%get3A_326, %get3A_327] : memref<1x16xf32, #tpu.memory_space<smem>>
    %mul3A_329 = vector.broadcast %get3A_328 : f32 to vector<784x128xf32>
    %mul3A_330 = arith.mulf %mul3A, %mul3A_329 : vector<784x128xf32>
    %get3A_331 = arith.constant 13 : index
    %get3A_332 = memref.load %arg5[%get3A_331] : memref<16xf32, #tpu.memory_space<smem>>
    %add3A_333 = vector.broadcast %get3A_332 : f32 to vector<784x128xf32>
    %add3A_334 = arith.addf %mul3A_330, %add3A_333 : vector<784x128xf32>
    %max3A_335 = arith.constant 0.000000e+00 : f32
    %max3A_336 = vector.broadcast %max3A_335 : f32 to vector<784x128xf32>
    %max3A_337 = arith.maximumf %add3A_334, %max3A_336 : vector<784x128xf32>
    %get3A_338 = arith.constant 13 : index
    %get3A_339 = arith.constant 0 : index
    %get3A_340 = memref.load %arg6[%get3A_338, %get3A_339] : memref<16x2xf32, #tpu.memory_space<smem>>
    %mul3A_341 = vector.broadcast %get3A_340 : f32 to vector<784x128xf32>
    %mul3A_342 = arith.mulf %max3A_337, %mul3A_341 : vector<784x128xf32>
    %add3A_343 = arith.addf %add3A_319, %mul3A_342 : vector<784x128xf32>
    %get3A_344 = arith.constant 13 : index
    %get3A_345 = arith.constant 1 : index
    %get3A_346 = memref.load %arg6[%get3A_344, %get3A_345] : memref<16x2xf32, #tpu.memory_space<smem>>
    %mul3A_347 = vector.broadcast %get3A_346 : f32 to vector<784x128xf32>
    %mul3A_348 = arith.mulf %max3A_337, %mul3A_347 : vector<784x128xf32>
    %add3A_349 = arith.addf %add3A_325, %mul3A_348 : vector<784x128xf32>
    %get3A_350 = arith.constant 0 : index
    %get3A_351 = arith.constant 14 : index
    %get3A_352 = memref.load %arg4[%get3A_350, %get3A_351] : memref<1x16xf32, #tpu.memory_space<smem>>
    %mul3A_353 = vector.broadcast %get3A_352 : f32 to vector<784x128xf32>
    %mul3A_354 = arith.mulf %mul3A, %mul3A_353 : vector<784x128xf32>
    %get3A_355 = arith.constant 14 : index
    %get3A_356 = memref.load %arg5[%get3A_355] : memref<16xf32, #tpu.memory_space<smem>>
    %add3A_357 = vector.broadcast %get3A_356 : f32 to vector<784x128xf32>
    %add3A_358 = arith.addf %mul3A_354, %add3A_357 : vector<784x128xf32>
    %max3A_359 = arith.constant 0.000000e+00 : f32
    %max3A_360 = vector.broadcast %max3A_359 : f32 to vector<784x128xf32>
    %max3A_361 = arith.maximumf %add3A_358, %max3A_360 : vector<784x128xf32>
    %get3A_362 = arith.constant 14 : index
    %get3A_363 = arith.constant 0 : index
    %get3A_364 = memref.load %arg6[%get3A_362, %get3A_363] : memref<16x2xf32, #tpu.memory_space<smem>>
    %mul3A_365 = vector.broadcast %get3A_364 : f32 to vector<784x128xf32>
    %mul3A_366 = arith.mulf %max3A_361, %mul3A_365 : vector<784x128xf32>
    %add3A_367 = arith.addf %add3A_343, %mul3A_366 : vector<784x128xf32>
    %get3A_368 = arith.constant 14 : index
    %get3A_369 = arith.constant 1 : index
    %get3A_370 = memref.load %arg6[%get3A_368, %get3A_369] : memref<16x2xf32, #tpu.memory_space<smem>>
    %mul3A_371 = vector.broadcast %get3A_370 : f32 to vector<784x128xf32>
    %mul3A_372 = arith.mulf %max3A_361, %mul3A_371 : vector<784x128xf32>
    %add3A_373 = arith.addf %add3A_349, %mul3A_372 : vector<784x128xf32>
    %get3A_374 = arith.constant 0 : index
    %get3A_375 = arith.constant 15 : index
    %get3A_376 = memref.load %arg4[%get3A_374, %get3A_375] : memref<1x16xf32, #tpu.memory_space<smem>>
    %mul3A_377 = vector.broadcast %get3A_376 : f32 to vector<784x128xf32>
    %mul3A_378 = arith.mulf %mul3A, %mul3A_377 : vector<784x128xf32>
    %get3A_379 = arith.constant 15 : index
    %get3A_380 = memref.load %arg5[%get3A_379] : memref<16xf32, #tpu.memory_space<smem>>
    %add3A_381 = vector.broadcast %get3A_380 : f32 to vector<784x128xf32>
    %add3A_382 = arith.addf %mul3A_378, %add3A_381 : vector<784x128xf32>
    %max3A_383 = arith.constant 0.000000e+00 : f32
    %max3A_384 = vector.broadcast %max3A_383 : f32 to vector<784x128xf32>
    %max3A_385 = arith.maximumf %add3A_382, %max3A_384 : vector<784x128xf32>
    %get3A_386 = arith.constant 15 : index
    %get3A_387 = arith.constant 0 : index
    %get3A_388 = memref.load %arg6[%get3A_386, %get3A_387] : memref<16x2xf32, #tpu.memory_space<smem>>
    %mul3A_389 = vector.broadcast %get3A_388 : f32 to vector<784x128xf32>
    %mul3A_390 = arith.mulf %max3A_385, %mul3A_389 : vector<784x128xf32>
    %add3A_391 = arith.addf %add3A_367, %mul3A_390 : vector<784x128xf32>
    %get3A_392 = arith.constant 15 : index
    %get3A_393 = arith.constant 1 : index
    %get3A_394 = memref.load %arg6[%get3A_392, %get3A_393] : memref<16x2xf32, #tpu.memory_space<smem>>
    %mul3A_395 = vector.broadcast %get3A_394 : f32 to vector<784x128xf32>
    %mul3A_396 = arith.mulf %max3A_385, %mul3A_395 : vector<784x128xf32>
    %add3A_397 = arith.addf %add3A_373, %mul3A_396 : vector<784x128xf32>
    %mul3A_398 = arith.mulf %get3A_1, %add3A_391 : vector<784x128xf32>
    %swap3A = arith.constant 0 : index
    %swap3A_399 = arith.constant 0 : index
    %swap3A_400 = vector.load %arg7[%swap3A, %swap3A_399] : memref<784x128xf32, #tpu.memory_space<vmem>>, vector<784x128xf32>
    tpu.vector_store %arg7[%swap3A, %swap3A_399], %mul3A_398 {strides = array<i32>} : memref<784x128xf32, #tpu.memory_space<vmem>>, vector<784x128xf32>,
    %mul3A_401 = arith.mulf %get3A_1, %add3A_397 : vector<784x128xf32>
    %swap3A_402 = arith.constant 0 : index
    %swap3A_403 = arith.constant 0 : index
    %swap3A_404 = vector.load %arg8[%swap3A_402, %swap3A_403] : memref<784x128xf32, #tpu.memory_space<vmem>>, vector<784x128xf32>
    tpu.vector_store %arg8[%swap3A_402, %swap3A_403], %mul3A_401 {strides = array<i32>} : memref<784x128xf32, #tpu.memory_space<vmem>>, vector<784x128xf32>,
    return
  }
}

module attributes {stable_mosaic.version = 14 : i64} {
  func.func @_tc_final_body(%arg0: memref<784x128xf32, #tpu.memory_space<vmem>>, %arg1: memref<784x128xf32, #tpu.memory_space<vmem>>, %arg2: memref<784x128xf32, #tpu.memory_space<vmem>>, %arg3: memref<784x128xf32, #tpu.memory_space<vmem>>, %arg4: memref<784x128xf32, #tpu.memory_space<vmem>>, %arg5: memref<2xf32, #tpu.memory_space<smem>>, %arg6: memref<784x128xf32, #tpu.memory_space<vmem>>, %arg7: memref<784x128xf32, #tpu.memory_space<vmem>>) attributes {dimension_semantics = [], scalar_prefetch = 0 : i64, scratch_operands = 0 : i64, tpu.core_type = #tpu.core_type<tc>} {
    %get3A = arith.constant 0 : index
    %get3A_0 = arith.constant 0 : index
    %get3A_1 = vector.load %arg2[%get3A, %get3A_0] : memref<784x128xf32, #tpu.memory_space<vmem>>, vector<784x128xf32>
    %get3A_2 = arith.constant 0 : index
    %get3A_3 = arith.constant 0 : index
    %get3A_4 = vector.load %arg0[%get3A_2, %get3A_3] : memref<784x128xf32, #tpu.memory_space<vmem>>, vector<784x128xf32>
    %get3A_5 = arith.constant 0 : index
    %get3A_6 = arith.constant 0 : index
    %get3A_7 = vector.load %arg3[%get3A_5, %get3A_6] : memref<784x128xf32, #tpu.memory_space<vmem>>, vector<784x128xf32>
    %add3A = arith.addf %get3A_4, %get3A_7 : vector<784x128xf32>
    %mul3A = arith.mulf %get3A_1, %add3A : vector<784x128xf32>
    %get3A_8 = arith.constant 0 : index
    %get3A_9 = memref.load %arg5[%get3A_8] : memref<2xf32, #tpu.memory_space<smem>>
    %add3A_10 = vector.broadcast %get3A_9 : f32 to vector<784x128xf32>
    %add3A_11 = arith.addf %mul3A, %add3A_10 : vector<784x128xf32>
    %swap3A = arith.constant 0 : index
    %swap3A_12 = arith.constant 0 : index
    %swap3A_13 = vector.load %arg6[%swap3A, %swap3A_12] : memref<784x128xf32, #tpu.memory_space<vmem>>, vector<784x128xf32>
    tpu.vector_store %arg6[%swap3A, %swap3A_12], %add3A_11 {strides = array<i32>} : memref<784x128xf32, #tpu.memory_space<vmem>>, vector<784x128xf32>,
    %get3A_14 = arith.constant 0 : index
    %get3A_15 = arith.constant 0 : index
    %get3A_16 = vector.load %arg1[%get3A_14, %get3A_15] : memref<784x128xf32, #tpu.memory_space<vmem>>, vector<784x128xf32>
    %get3A_17 = arith.constant 0 : index
    %get3A_18 = arith.constant 0 : index
    %get3A_19 = vector.load %arg4[%get3A_17, %get3A_18] : memref<784x128xf32, #tpu.memory_space<vmem>>, vector<784x128xf32>
    %add3A_20 = arith.addf %get3A_16, %get3A_19 : vector<784x128xf32>
    %mul3A_21 = arith.mulf %get3A_1, %add3A_20 : vector<784x128xf32>
    %get3A_22 = arith.constant 1 : index
    %get3A_23 = memref.load %arg5[%get3A_22] : memref<2xf32, #tpu.memory_space<smem>>
    %add3A_24 = vector.broadcast %get3A_23 : f32 to vector<784x128xf32>
    %add3A_25 = arith.addf %mul3A_21, %add3A_24 : vector<784x128xf32>
    %swap3A_26 = arith.constant 0 : index
    %swap3A_27 = arith.constant 0 : index
    %swap3A_28 = vector.load %arg7[%swap3A_26, %swap3A_27] : memref<784x128xf32, #tpu.memory_space<vmem>>, vector<784x128xf32>
    tpu.vector_store %arg7[%swap3A_26, %swap3A_27], %add3A_25 {strides = array<i32>} : memref<784x128xf32, #tpu.memory_space<vmem>>, vector<784x128xf32>,
    return
  }
}

</mosaic_0001>

<sc_bundles>
// kernel: kernel.11.cloned.1.call-start
scs
__scs_entry_jumppad:
0x0: {  	(pc) =	sbr.rel $0x88, $3  }
0x1: {  	(tag) =	ssettag $0x0;
	lr =	simm.s32 $0x1  }
0x2: {  	[smem:$0x3F9B] =	sst lr;
	_ =	strace $0xD0000000  }
0x3: {  	_ = 	snop  }
0x4: {  	_ = 	snop  }
0x5: {  	_ = 	snop  }
0x6: {  	_ = 	snop  }
0x7: {  	_ = 	snop  }
__scs_overlays_trampoline_lowered:
0x8: {  	[smem:$0x3FAA] =	sst s0  }
0x9: {  	[smem:$0x3FAB] =	sst s1  }
0xa: {  	[smem:$0x3FAC] =	sst s2  }
0xb: {  	[smem:$0x3FAD] =	sst s3  }
0xc: {  	[smem:$0x3FAE] =	sst s4  }
0xd: {  	[smem:$0x3FAF] =	sst s5  }
0xe: {  	[smem:$0x3FB0] =	sst s6  }
0xf: {  	[smem:$0x3FB1] =	sst s7  }
0x10: {  	[smem:$0x3FB2] =	sst s8  }
0x11: {  	[smem:$0x3FB3] =	sst s9;
	s0 =	simm.s32 @!p0 $0x0  }
0x12: {  	s1 =	sld [smem:$0x3F99];
	s0 =	simm.s32 @p0 $0x1  }
0x13: {  	[smem:$0x3FB4] =	sst s0;
	s0 =	simm.s32 @!p1 $0x0  }
0x14: {  	s2 =	sld [smem:$0x3F98];
	s0 =	simm.s32 @p1 $0x1  }
0x15: {  	[smem:$0x3FB5] =	sst s0;
	s0 =	simm.s32 @!p2 $0x0  }
0x16: {  	s3 =	sld [smem:$0x3FDB];
	s0 =	simm.s32 @p2 $0x1  }
0x17: {  	s4 =	simm.s32 $0x1BF5;
	[smem:$0x3FB7] =	sst s0  }
0x18: {  	s0 =	sld [smem:$0x3F9A];
	_ =	swait.ge [sflag:s4], $0x0  }
0x19: {  	s7 =	sld [smem:$0x3F9B]  }
0x1a: {  	s8 =	sadd.s32 $0xFFFFE003, lr  }
0x1b: {  	s9 =	sadd.s32 $0xFFFFFEF7, lr;
	s5 =	simm.s32 $0xFFFFFFFF;
	p2 =	slt.u32 s8, $0xFFFFF086  }
0x1c: {  	p1 =	slt.u32 s9, $0xF7A;
	s5 =	simm.s32 @!p2 $0x0  }
0x1d: {  	s5 =	simm.s32 @p1 $0x1;
	p0 =	seq.s32 s7, s2  }
0x1e: {  	s7 =	smul.u32 @!p0 $0xF7A, s2;
	p2 =	seq.s32 @!p0 s5, $0x0  }
0x1f: {  	s9 =	smul.u32 $0xF7A, s1;
	s8 =	simm.s32 @!p0 $0x1BF5;
	p2 =	por !p2, p0  }
0x20: {  	[sflag:s8] =	ssyncset.s32 @!p0 $0xFFFFF086;
	s6 =	sadd.s32 @!p0 s3, s7;
	s7 =	simm.s32 @!p0 $0x108  }
0x21: {  	s3 =	sadd.s32 s3, s9;
	s6 =	sadd.s32 @!p0 $0x88, s6;
	s7 =	simm.s32 @p2 $0x1082  }
0x22: {  	[simem:s7], [sflag:s8] =	dma.local @!p0 [hbm:s6], $0xF7A  }
0x23: {  	s9 =	sor.u32 $0xD0000000, s2;
	s6 =	simm.s32 $0x108;
	_ =	swait.ge @!p0 [sflag:s8], $0x0  }
0x24: {  	s3 =	sadd.s32 $0x88, s3;
	s6 =	simm.s32 @!p1 $0x1082;
	[sflag:s4] =	ssyncset.s32 $0xFFFFF086  }
0x25: {  	[simem:s6], [sflag:s4] =	dma.local [hbm:s3], $0xF7A  }
0x26: {  	[smem:$0x3F9B] =	sst s1;
	(tag) =	ssettag s2;
	_ =	strace s9  }
0x27: {  	s1 =	sld [smem:$0x3FAB]  }
0x28: {  	s2 =	sld [smem:$0x3FAC]  }
0x29: {  	s4 =	sld [smem:$0x3FAE]  }
0x2a: {  	p0 =	seq.s32 s5, $0x0;
	s5 =	sld [smem:$0x3FAF]  }
0x2b: {  	s6 =	sld [smem:$0x3FB0]  }
0x2c: {  	s7 =	sld [smem:$0x3FB1]  }
0x2d: {  	s3 =	simm.s32 $0x108;
	s8 =	sld [smem:$0x3FB2]  }
0x2e: {  	s3 =	simm.s32 @!p0 $0x1082;
	s9 =	sld [smem:$0x3FB3]  }
0x2f: {  	lr =	sadd.s32 s0, s3;
	s0 =	sld [smem:$0x3FAA]  }
0x30: {  	s3 =	sld [smem:$0x3FAD]  }
0x31: {  	[smem:$0x3FB6] =	sst s10  }
0x32: {  	s10 =	sld [smem:$0x3FB4];
	_ =	sdelay $0x3  }
0x33: {  	p0 =	seq.s32 s10, $0x1;
	s10 =	sld [smem:$0x3FB6];
	_ =	sdelay $0x3  }
0x34: {  	[smem:$0x3FB6] =	sst s10  }
0x35: {  	s10 =	sld [smem:$0x3FB5];
	_ =	sdelay $0x3  }
0x36: {  	p1 =	seq.s32 s10, $0x1;
	s10 =	sld [smem:$0x3FB6];
	_ =	sdelay $0x3  }
0x37: {  	[smem:$0x3FB6] =	sst s10  }
0x38: {  	s10 =	sld [smem:$0x3FB7]  }
0x39: {  	_ = 	snop;
	(pc) =	sbr.ind lr, $3  }
0x3a: {  	_ = 	snop  }
0x3b: {  	_ = 	snop  }
0x3c: {  	p2 =	seq.s32 s10, $0x1;
	s10 =	sld [smem:$0x3FB6]  }
0x3d: {  	_ =	shalt  }
0x3e: {  	_ =	shalt  }
0x3f: {  	_ =	shalt  }
0x40: {  	_ =	shalt  }
0x41: {  	_ =	shalt  }
0x42: {  	_ =	shalt  }
0x43: {  	_ =	shalt  }
0x44: {  	_ =	shalt  }
0x45: {  	_ =	shalt  }
0x46: {  	_ =	shalt  }
0x47: {  	_ =	shalt  }
0x48: {  	_ =	shalt  }
0x49: {  	_ =	shalt  }
0x4a: {  	_ =	shalt  }
0x4b: {  	_ =	shalt  }
0x4c: {  	_ =	shalt  }
0x4d: {  	_ =	shalt  }
0x4e: {  	_ =	shalt  }
0x4f: {  	_ =	shalt  }
0x50: {  	_ =	shalt  }
0x51: {  	_ =	shalt  }
0x52: {  	_ =	shalt  }
0x53: {  	_ =	shalt  }
0x54: {  	_ =	shalt  }
0x55: {  	_ =	shalt  }
0x56: {  	_ =	shalt  }
0x57: {  	_ =	shalt  }
0x58: {  	_ =	shalt  }
0x59: {  	_ =	shalt  }
0x5a: {  	_ =	shalt  }
0x5b: {  	_ =	shalt  }
0x5c: {  	_ =	shalt  }
0x5d: {  	_ =	shalt  }
0x5e: {  	_ =	shalt  }
0x5f: {  	_ =	shalt  }
0x60: {  	_ =	shalt  }
0x61: {  	_ =	shalt  }
0x62: {  	_ =	shalt  }
0x63: {  	_ =	shalt  }
0x64: {  	_ =	shalt  }
0x65: {  	_ =	shalt  }
0x66: {  	_ =	shalt  }
0x67: {  	_ =	shalt  }
0x68: {  	_ =	shalt  }
0x69: {  	_ =	shalt  }
0x6a: {  	_ =	shalt  }
0x6b: {  	_ =	shalt  }
0x6c: {  	_ =	shalt  }
0x6d: {  	_ =	shalt  }
0x6e: {  	_ =	shalt  }
0x6f: {  	_ =	shalt  }
0x70: {  	_ =	shalt  }
0x71: {  	_ =	shalt  }
0x72: {  	_ =	shalt  }
0x73: {  	_ =	shalt  }
0x74: {  	_ =	shalt  }
0x75: {  	_ =	shalt  }
0x76: {  	_ =	shalt  }
0x77: {  	_ =	shalt  }
0x78: {  	_ =	shalt  }
0x79: {  	_ =	shalt  }
0x7a: {  	_ =	shalt  }
0x7b: {  	_ =	shalt  }
0x7c: {  	_ =	shalt  }
0x7d: {  	_ =	shalt  }
0x7e: {  	_ =	shalt  }
0x7f: {  	_ =	shalt  }
0x80: {  	_ =	shalt  }
0x81: {  	_ =	shalt  }
0x82: {  	_ =	shalt  }
0x83: {  	_ =	shalt  }
0x84: {  	_ =	shalt  }
0x85: {  	_ =	shalt  }
0x86: {  	_ =	shalt  }
0x87: {  	_ =	shalt  }
.Lfunc_end0:
.L_simem_size_0:
called_computation.1_lowered:
.L_overlay_start_0:
0x88: {  	s2 =	sld [smem:$0x3FD9]  }
0x89: {  	s3 =	sld [smem:$0x3FFE];
	_ =	sdelay $0x1  }
0x8a: {  	s1 =	srdreg.scid  }
0x8b: {  	s0 =	sand.u32 $0x1, s1  }
0x8c: {  	s17 =	sshll.u32 s0, $0xA;
	s2 =	sadd.s32 s3, s2  }
0x8d: {  	s2 =	sadd.s32 s2, s17  }
0x8e: {  	[smem:$0x3FC2] =	sst s2  }
0x8f: {  	_ = 	snop  }
0x90: {  	s2 =	sld [smem:$0x3FD0];
	(tm) =	ssettm $0x1  }
0x91: {  	s18 =	sld [smem:$0x3FFB];
	_ =	sdelay $0x3  }
0x92: {  	_ =	strace s18  }
0x93: {  	s3 =	sld [smem:$0x3FFC];
	_ =	sdelay $0x3  }
0x94: {  	_ =	strace s3  }
0x95: {  	s3 =	sld [smem:$0x3FFD];
	_ =	sdelay $0x3  }
0x96: {  	_ =	strace s3  }
0x97: {  	_ =	strace $0x8FFFFFFF  }
0x98: {  	s19 =	sld [smem:$0x3FDB];
	_ =	sdelay $0x1  }
0x99: {  	s4 =	simm.s32 $_scs_section_size  }
0x9a: {  	s5 =	simm.s32 $_size__tile_overlayer_lowered;
	s6 =	simm.s32 $_tile_overlayer_lowered  }
0x9b: {  	s22 =	simm.s32 $0x1BFF;
	s21 =	sshll.u32 s6, $0x1;
	s3 =	sadd.s32 s4, s19  }
0x9c: {  	s7 =	simm.s32 $0x0;
	s20 =	sshll.u32 s5, $0x1;
	s5 =	sadd.s32 s21, s3  }
0x9d: {  	[timem:s7], [sflag:s22] =	dma.local [hbm:s5], s20  }
0x9e: {  	_ =	swait.ge [sflag:s22], s20  }
0x9f: {  	s4 =	ssub.s32 $0x0, s20;
	[sflag:s22] =	ssyncset.done $0x0  }
0xa0: {  	[sflag:s22] =	ssyncadd.s32 s4;
	_ =	sdelay $0x1  }
0xa1: {  	s23 =	simm.s32 $0x1B8B  }
0xa2: {  	_ =	swait.ge [sflag:s23], $0x1  }
0xa3: {  	[sflag:s23] =	ssyncset.done $0x0  }
0xa4: {  	s25 =	simm.s32 $0x1B8E;
	s24 =	sld [smem:$0x3FFE];
	[sflag:s23] =	ssyncadd.s32 $0xFFFFFFFF  }
0xa5: {  	s26 =	simm.s32 $execute0_lowered;
	[smem:$0x3FD2] =	sst s25  }
0xa6: {  	s5 =	sshll.u32 s26, $0x1;
	_ =	strace $0x80000049;
	[dreg:$0x1] =	wrdreg $0xFFFFFFFF  }
0xa7: {  	s28 =	simm.s32 $_size_execute0_lowered;
	s3 =	sadd.s32 s3, s5;
	[dreg:$0x0] =	wrdreg $0x0  }
0xa8: {  	s5 =	sshll.u32 s28, $0x1;
	[dreg:$0x2] =	wrdreg s3  }
0xa9: {  	[dreg:$0x3] =	wrdreg s5  }
0xaa: {  	[dreg:$0x4] =	wrdreg $0xC0  }
0xab: {  	_ =	task [dreg:s7], $0x5FFFF  }
0xac: {  	[dreg:$0x1] =	wrdreg $0xFFFFFFFF  }
0xad: {  	[dreg:$0x0] =	wrdreg $0x60  }
0xae: {  	[dreg:$0x2] =	wrdreg s24  }
0xaf: {  	[dreg:$0x3] =	wrdreg s2  }
0xb0: {  	[dreg:$0x4] =	wrdreg $0x1E7000  }
0xb1: {  	[dreg:$0x5] =	wrdreg $0x9  }
0xb2: {  	_ =	task.clear_ibuf [dreg:s7], $0x6FFFF;
	_ =	strace $0x90000049  }
0xb3: {  	s29 =	simm.s32 $0x9;
	_ =	strace $0x8000004B  }
0xb4: {  	_ =	swait.ge [sflag:s29], $0x1  }
0xb5: {  	[sflag:s29] =	ssyncadd.s32 $0xFFFFFFFF  }
0xb6: {  	_ =	strace $0x9000004B  }
0xb7: {  	_ =	sfence  }
0xb8: {  	s30 =	sld [smem:$0x0];
	_ =	sdelay $0x2  }
0xb9: {  	s31 =	sshll.u32 s1, $0xD;
	s1 =	sshrl.u32 s1, $0x2  }
0xba: {  	s3 =	sand.u32 $0x4000, s31;
	s1 =	sadd.s32 s1, s30  }
0xbb: {  	s0 =	sor.u32 s3, s0;
	s1 =	sshll.u32 s1, $0x11  }
0xbc: {  	s0 =	sor.u32 s1, s0  }
0xbd: {  	s0 =	sadd.s32 $0x8F2B, s0  }
0xbe: {  	[sflag:s0] =	ssyncadd.remote.s32 $0x1  }
0xbf: {  	_ =	sfence.sel $0xFFFF  }
0xc0: {  	[dreg:$0x0] =	wrdreg $0xFFFFFFFF;
	(pc) =	sbr.abs _section_cstart, $3  }
0xc1: {  	[dreg:$0x1] =	wrdreg $0xFFFFFFFF  }
0xc2: {  	_ =	task.clear_ibuf [dreg:s7], $0x2FFFF;
	_ =	strace $0x9FFFFFFF  }
0xc3: {  	(tm) =	ssettm $0x7FFFFFFF  }
tec
execute0_lowered:
.L_overlay_start_1:
0x0: {  	(tag) =	ssettag $0x1  }
0x1: {  	s0 =	rddreg [dreg:$0x0]  }
0x2: {  	s2 =	rddreg [dreg:$0x2];
	s3 =	simm.s32 $0x0  }
0x3: {  	s1 =	srdreg.scid;
	s4 =	stileid.u32;
	s15 =	simm.s32 $0x2  }
0x4: {  	s16 =	simm.s32 $0x18700;
	s17 =	simm.s32 $0x1A700;
	s18 =	simm.s32 $0x1000  }
0x5: {  	s19 =	simm.s32 $0x1C700;
	s20 =	simm.s32 $0x19700;
	s21 =	simm.s32 $0x1B700  }
0x6: {  	s22 =	simm.s32 $0x1;
	s23 =	simm.s32 $0x1D700;
	s25 =	simm.s32 $0x20  }
0x7: {  	s26 =	simm.s32 $0x10;
	s28 =	simm.s32 $0x0;
	[smem:$0x7FF] =	sst s3  }
0x8: {  	s1 =	sand.u32 $0x1, s1;
	s6 =	smul.u32 $0x3100, s4;
	s8 =	sshll.u32 s4, $0x1  }
0x9: {  	s5 =	sadd.s32 $0xC6400, s0;
	s12 =	smul.u32 $0x6200, s4;
	p0 =	sne.s32 s4, $0x0  }
0xa: {  	_ =	strace $0x8000004A;
	s7 =	sshll.u32 s1, $0x7;
	s8 =	sor.u32 s1, s8  }
0xb: {  	s1 =	ssub.s32 $0x2, s1;
	s14 =	sshrl.u32 @!p0 s2, $0x3;
	s7 =	sor.u32 s7, s6  }
0xc: {  	s6 =	sadd.s32 $0x18E400, s0;
	s11 =	smul.u32 $0x32000, s8;
	s29 =	sshrl.u32 s1, $0x1  }
.Ltmp0:
0xd: {  	s13 =	sshrl.u32 s12, $0x2;
	s9 =	sshrl.u32 s7, $0x3;
	(pc) =	sbr.rel .LBB2_1-.Ltmp0, $4  }
0xe: {  	s7 =	sadd.s32 $0x2E00, s0;
	s1 =	ssub.s32 s1, s29;
	s31 =	sadd.s32 s13, s2  }
0xf: {  	s0 =	sadd.s32 s9, s0;
	s30 =	sshrl.u32 s11, $0x3;
	s10 =	sor.u32 $0x1000, s11  }
0x10: {  	s11 =	sadd.s32 $0x2000, s11;
	s13 =	smax.u32 s1, $0x1;
	s24 =	sshrl.u32 s31, $0x3  }
0x11: {  	s8 =	sadd.s32 s5, s30;
	s9 =	sadd.s32 s6, s30;
	s12 =	sadd.s32 $0x6000, s0  }
.LBB2_11:
0x12: {  	s28 =	sadd.s32 $0x1, s28  }
0x13: {  	s0 =	sshll.u32 s4, $0x6;
	p1 =	sne.s32 s28, s13  }
.Ltmp1:
0x14: {  	[bflag:$0x0] =	sbarrier.arrive $0xFFFF;
	s0 =	sor.u32 $0x1C02, s0;
	(pc) =	sbr.rel @!p1 .LBB2_12-.Ltmp1, $4  }
0x15: {  	[hbm:s12@s25], [sflag:s0] =	dma.strided [spmem:s24@s26], $0x310, s22, $0x10   }
0x16: {  	_ =	swait.ge [sflag:s15], $0x310  }
0x17: {  	[sflag:s15] =	ssyncset.done $0x0  }
0x18: {  	[sflag:s15] =	ssyncadd.s32 $0xFFFFFCF0  }
.LBB2_1:
0x19: {  	s0 =	simm.s32 @!p0 $0x1C02;
	s1 =	rddreg [dreg:$0x1]  }
0x1a: {  	[spmem:s14], [sflag:s0] =	dma.local @!p0 [hbm:s1], $0x3100  }
0x1b: {  	s0 =	simm.s32 @!p0 $0x2  }
0x1c: {  	_ =	swait.ge @!p0 [sflag:s0], $0x3100  }
0x1d: {  	[sflag:s0] =	ssyncset.done @!p0 $0x0  }
0x1e: {  	[sflag:s0] =	ssyncadd.s32 @!p0 $0xFFFFCF00  }
0x1f: {  	[tilespmem:s3], [sflag:$0x2] =	stream.linear.gather [hbm4b:s7+s3], $0x186A0, $0x38;
	[tilespmem:$0x1FF80] =	vst v63  }
0x20: {  	_ =	swait.ge [sflag:s15], $0x186A0  }
0x21: {  	[sflag:s15] =	ssyncset.done $0x0  }
0x22: {  	[sflag:s15] =	ssyncadd.s32 $0xFFFE7960  }
0x23: {  	[tilespmem:s16], [sflag:$0x2] =	stream.linear.gather [hbm4b:s8+s3], $0x1000, $0x38;
	[tilespmem:$0x1FF80] =	vst v63  }
0x24: {  	_ =	swait.ge [sflag:s15], $0x1000  }
0x25: {  	[sflag:s15] =	ssyncset.done $0x0  }
0x26: {  	[sflag:s15] =	ssyncadd.s32 $0xFFFFF000  }
0x27: {  	[tilespmem:s17], [sflag:$0x2] =	stream.linear.gather [hbm4b:s9+s3], $0x1000, $0x38;
	[tilespmem:$0x1FF80] =	vst v63  }
0x28: {  	_ =	swait.ge [sflag:s15], $0x1000  }
0x29: {  	[sflag:s15] =	ssyncset.done $0x0  }
0x2a: {  	[sflag:s15] =	ssyncadd.s32 $0xFFFFF000  }
0x2b: {  	s29 =	simm.s32 $0x18740;
	[bflag:$0x0] =	sbarrier.arrive $0xFFFF  }
0x2c: {  	v0 =	vld [tilespmem:s29+$0x30]  }
0x2d: {  	v1 =	vld [tilespmem:s29+$0xFFFFFFD0]  }
0x2e: {  	v2 =	vld [tilespmem:s29+$0xFFFFFFE0]  }
0x2f: {  	v3 =	vld [tilespmem:s29+$0xFFFFFFF0]  }
0x30: {  	v4 =	vld [tilespmem:s29+$0x0]  }
0x31: {  	v6 =	vld [tilespmem:s29+$0x10]  }
0x32: {  	v7 =	vld [tilespmem:s29+$0x20]  }
0x33: {  	v8 =	vld [tilespmem:s29+$0xFFFFFFC0]  }
0x34: {  	v9 =	vld.idx.msk [tilespmem:v0+s3+$0x0], $0xffff  }
0x35: {  	v10 =	vld.idx.msk [tilespmem:v1+s3+$0x0], $0xffff  }
0x36: {  	v5 =	vld.idx.msk [tilespmem:v2+s3+$0x0], $0xffff  }
0x37: {  	v3 =	vld.idx.msk [tilespmem:v3+s3+$0x0], $0xffff  }
0x38: {  	v0 =	vld.idx.msk [tilespmem:v4+s3+$0x0], $0xffff  }
0x39: {  	s30 =	simm.s32 $0x1C740;
	v1 =	vld.idx.msk [tilespmem:v6+s3+$0x0], $0xffff  }
0x3a: {  	v2 =	vld.idx.msk [tilespmem:v7+s3+$0x0], $0xffff;
	[tilespmem:s30+$0x30] =	vst v9  }
0x3b: {  	s31 =	simm.s32 $0x0;
	s0 =	simm.s32 $0x187C0;
	v4 =	vld.idx.msk [tilespmem:v8+s3+$0x0], $0xffff;
	[tilespmem:s30+$0xFFFFFFD0] =	vst v10  }
.LBB2_2:
0x3c: {  	v6 =	vld [tilespmem:s0+$0x30];
	s31 =	sadd.s32 $0x80, s31;
	[tilespmem:s30+$0xFFFFFFE0] =	vst v5  }
0x3d: {  	v5 =	vld [tilespmem:s0+$0xFFFFFFD0];
	p1 =	slt.u32 s31, $0xF80;
	[tilespmem:s30+$0xFFFFFFF0] =	vst v3  }
0x3e: {  	v3 =	vld [tilespmem:s0+$0xFFFFFFE0];
	[tilespmem:s30+$0x0] =	vst v0  }
0x3f: {  	v0 =	vld [tilespmem:s0+$0xFFFFFFF0];
	[tilespmem:s30+$0x10] =	vst v1  }
0x40: {  	v1 =	vld [tilespmem:s0+$0x0];
	[tilespmem:s30+$0x20] =	vst v2  }
0x41: {  	v2 =	vld [tilespmem:s0+$0x10];
	[tilespmem:s30+$0xFFFFFFC0] =	vst v4  }
0x42: {  	v4 =	vld [tilespmem:s0+$0x20]  }
0x43: {  	s29 =	simm.s32 $0x0;
	v7 =	vld [tilespmem:s0+$0xFFFFFFC0]  }
0x44: {  	v6 =	vld.idx.msk [tilespmem:v6+s29+$0x0], $0xffff  }
0x45: {  	v8 =	vld.idx.msk [tilespmem:v5+s29+$0x0], $0xffff  }
0x46: {  	v5 =	vld.idx.msk [tilespmem:v3+s29+$0x0], $0xffff  }
.Ltmp2:
0x47: {  	v3 =	vld.idx.msk [tilespmem:v0+s29+$0x0], $0xffff;
	(pc) =	sbr.rel @p1 .LBB2_2-.Ltmp2, $4  }
0x48: {  	v0 =	vld.idx.msk [tilespmem:v1+s29+$0x0], $0xffff  }
0x49: {  	s30 =	sadd.s32 $0x80, s30;
	v1 =	vld.idx.msk [tilespmem:v2+s29+$0x0], $0xffff  }
0x4a: {  	v2 =	vld.idx.msk [tilespmem:v4+s29+$0x0], $0xffff;
	[tilespmem:s30+$0x30] =	vst v6  }
0x4b: {  	s0 =	sadd.s32 $0x80, s0;
	v4 =	vld.idx.msk [tilespmem:v7+s29+$0x0], $0xffff;
	[tilespmem:s30+$0xFFFFFFD0] =	vst v8  }
0x4c: {  	[tilespmem:s30+$0xFFFFFFE0] =	vst v5  }
.Ltmp3:
0x4d: {  	[tilespmem:s30+$0xFFFFFFF0] =	vst v3;
	(pc) =	sbr.rel .LBB2_4-.Ltmp3, $4  }
0x4e: {  	[tilespmem:s30+$0x0] =	vst v0  }
0x4f: {  	[tilespmem:s30+$0x10] =	vst v1  }
0x50: {  	[tilespmem:s30+$0x20] =	vst v2  }
0x51: {  	[tilespmem:s30+$0xFFFFFFC0] =	vst v4  }
.LBB2_10:
0x52: {  	s29 =	sadd.s32 $0x1, s29  }
0x53: {  	p1 =	sne.s32 s29, $0x19  }
.Ltmp4:
0x54: {  	_ = 	snop;
	(pc) =	sbr.rel @!p1 .LBB2_11-.Ltmp4, $4  }
0x55: {  	_ = 	snop  }
0x56: {  	_ =	swait.ge [sflag:s22], $0x1000  }
0x57: {  	[sflag:s22] =	ssyncset.done $0x0  }
0x58: {  	[sflag:s22] =	ssyncadd.s32 $0xFFFFF000  }
.LBB2_4:
0x59: {  	s30 =	sshll.u32 s29, $0xD  }
0x5a: {  	[spmem:s2] =	stream.indirect.scatter.add.f32 [tilespmem:s19], [sflag:$0x1], $0x1, s17, s18, $0xb8;
	[tilespmem:$0x1FF80] =	vst v63  }
0x5b: {  	s0 =	sadd.s32 s30, s10  }
0x5c: {  	s0 =	sshrl.u32 s0, $0x3  }
0x5d: {  	s1 =	sadd.s32 s5, s0  }
0x5e: {  	[tilespmem:s20], [sflag:$0x2] =	stream.linear.gather [hbm4b:s1+s3], $0x1000, $0x38;
	[tilespmem:$0x1FF80] =	vst v63  }
0x5f: {  	_ =	swait.ge [sflag:s15], $0x1000  }
0x60: {  	[sflag:s15] =	ssyncset.done $0x0  }
0x61: {  	s0 =	sadd.s32 s6, s0;
	[sflag:s15] =	ssyncadd.s32 $0xFFFFF000  }
0x62: {  	[tilespmem:s21], [sflag:$0x2] =	stream.linear.gather [hbm4b:s0+s3], $0x1000, $0x38;
	[tilespmem:$0x1FF80] =	vst v63  }
0x63: {  	_ =	swait.ge [sflag:s15], $0x1000  }
0x64: {  	[sflag:s15] =	ssyncset.done $0x0  }
0x65: {  	s1 =	simm.s32 $0x19740;
	[sflag:s15] =	ssyncadd.s32 $0xFFFFF000  }
0x66: {  	v0 =	vld [tilespmem:s1+$0x30]  }
0x67: {  	v1 =	vld [tilespmem:s1+$0xFFFFFFD0]  }
0x68: {  	v2 =	vld [tilespmem:s1+$0xFFFFFFE0]  }
0x69: {  	v3 =	vld [tilespmem:s1+$0xFFFFFFF0]  }
0x6a: {  	v4 =	vld [tilespmem:s1+$0x0]  }
0x6b: {  	v6 =	vld [tilespmem:s1+$0x10]  }
0x6c: {  	v7 =	vld [tilespmem:s1+$0x20]  }
0x6d: {  	v8 =	vld [tilespmem:s1+$0xFFFFFFC0]  }
0x6e: {  	v9 =	vld.idx.msk [tilespmem:v0+s3+$0x0], $0xffff  }
0x6f: {  	v10 =	vld.idx.msk [tilespmem:v1+s3+$0x0], $0xffff  }
0x70: {  	v5 =	vld.idx.msk [tilespmem:v2+s3+$0x0], $0xffff  }
0x71: {  	v3 =	vld.idx.msk [tilespmem:v3+s3+$0x0], $0xffff  }
0x72: {  	v0 =	vld.idx.msk [tilespmem:v4+s3+$0x0], $0xffff  }
0x73: {  	s31 =	simm.s32 $0x1D740;
	v1 =	vld.idx.msk [tilespmem:v6+s3+$0x0], $0xffff  }
0x74: {  	v2 =	vld.idx.msk [tilespmem:v7+s3+$0x0], $0xffff;
	[tilespmem:s31+$0x30] =	vst v9  }
0x75: {  	s0 =	simm.s32 $0x0;
	s1 =	simm.s32 $0x197C0;
	v4 =	vld.idx.msk [tilespmem:v8+s3+$0x0], $0xffff;
	[tilespmem:s31+$0xFFFFFFD0] =	vst v10  }
.LBB2_5:
0x76: {  	v6 =	vld [tilespmem:s1+$0x30];
	s0 =	sadd.s32 $0x80, s0;
	[tilespmem:s31+$0xFFFFFFE0] =	vst v5  }
0x77: {  	v5 =	vld [tilespmem:s1+$0xFFFFFFD0];
	p1 =	slt.u32 s0, $0xF80;
	[tilespmem:s31+$0xFFFFFFF0] =	vst v3  }
0x78: {  	v3 =	vld [tilespmem:s1+$0xFFFFFFE0];
	[tilespmem:s31+$0x0] =	vst v0  }
0x79: {  	v0 =	vld [tilespmem:s1+$0xFFFFFFF0];
	[tilespmem:s31+$0x10] =	vst v1  }
0x7a: {  	v1 =	vld [tilespmem:s1+$0x0];
	[tilespmem:s31+$0x20] =	vst v2  }
0x7b: {  	v2 =	vld [tilespmem:s1+$0x10];
	[tilespmem:s31+$0xFFFFFFC0] =	vst v4  }
0x7c: {  	v4 =	vld [tilespmem:s1+$0x20]  }
0x7d: {  	v7 =	vld [tilespmem:s1+$0xFFFFFFC0]  }
0x7e: {  	v6 =	vld.idx.msk [tilespmem:v6+s3+$0x0], $0xffff  }
0x7f: {  	v8 =	vld.idx.msk [tilespmem:v5+s3+$0x0], $0xffff  }
0x80: {  	v5 =	vld.idx.msk [tilespmem:v3+s3+$0x0], $0xffff  }
.Ltmp5:
0x81: {  	v3 =	vld.idx.msk [tilespmem:v0+s3+$0x0], $0xffff;
	(pc) =	sbr.rel @p1 .LBB2_5-.Ltmp5, $4  }
0x82: {  	v0 =	vld.idx.msk [tilespmem:v1+s3+$0x0], $0xffff  }
0x83: {  	s31 =	sadd.s32 $0x80, s31;
	v1 =	vld.idx.msk [tilespmem:v2+s3+$0x0], $0xffff  }
0x84: {  	v2 =	vld.idx.msk [tilespmem:v4+s3+$0x0], $0xffff;
	[tilespmem:s31+$0x30] =	vst v6  }
0x85: {  	s1 =	sadd.s32 $0x80, s1;
	v4 =	vld.idx.msk [tilespmem:v7+s3+$0x0], $0xffff;
	[tilespmem:s31+$0xFFFFFFD0] =	vst v8  }
0x86: {  	[tilespmem:s31+$0xFFFFFFE0] =	vst v5  }
0x87: {  	[tilespmem:s31+$0xFFFFFFF0] =	vst v3  }
0x88: {  	[tilespmem:s31+$0x0] =	vst v0  }
0x89: {  	[tilespmem:s31+$0x10] =	vst v1  }
0x8a: {  	p1 =	seq.s32 s29, $0x18;
	[tilespmem:s31+$0x20] =	vst v2  }
.Ltmp6:
0x8b: {  	[tilespmem:s31+$0xFFFFFFC0] =	vst v4;
	(pc) =	sbr.rel @p1 .LBB2_10-.Ltmp6, $4  }
0x8c: {  	_ =	swait.ge [sflag:s22], $0x1000  }
0x8d: {  	[sflag:s22] =	ssyncset.done $0x0  }
0x8e: {  	[sflag:s22] =	ssyncadd.s32 $0xFFFFF000  }
0x8f: {  	[spmem:s2] =	stream.indirect.scatter.add.f32 [tilespmem:s23], [sflag:$0x1], $0x1, s21, s18, $0xb8;
	[tilespmem:$0x1FF80] =	vst v63  }
0x90: {  	s0 =	sadd.s32 s30, s11  }
0x91: {  	s0 =	sshrl.u32 s0, $0x3  }
0x92: {  	s1 =	sadd.s32 s5, s0  }
0x93: {  	[tilespmem:s16], [sflag:$0x2] =	stream.linear.gather [hbm4b:s1+s3], $0x1000, $0x38;
	[tilespmem:$0x1FF80] =	vst v63  }
0x94: {  	_ =	swait.ge [sflag:s15], $0x1000  }
0x95: {  	[sflag:s15] =	ssyncset.done $0x0  }
0x96: {  	s0 =	sadd.s32 s6, s0;
	[sflag:s15] =	ssyncadd.s32 $0xFFFFF000  }
0x97: {  	[tilespmem:s17], [sflag:$0x2] =	stream.linear.gather [hbm4b:s0+s3], $0x1000, $0x38;
	[tilespmem:$0x1FF80] =	vst v63  }
0x98: {  	_ =	swait.ge [sflag:s15], $0x1000  }
0x99: {  	[sflag:s15] =	ssyncset.done $0x0  }
0x9a: {  	s31 =	simm.s32 $0x18740;
	[sflag:s15] =	ssyncadd.s32 $0xFFFFF000  }
0x9b: {  	v0 =	vld [tilespmem:s31+$0x30]  }
0x9c: {  	v1 =	vld [tilespmem:s31+$0xFFFFFFD0]  }
0x9d: {  	v2 =	vld [tilespmem:s31+$0xFFFFFFE0]  }
0x9e: {  	v3 =	vld [tilespmem:s31+$0xFFFFFFF0]  }
0x9f: {  	v4 =	vld [tilespmem:s31+$0x0]  }
0xa0: {  	v6 =	vld [tilespmem:s31+$0x10]  }
0xa1: {  	v7 =	vld [tilespmem:s31+$0x20]  }
0xa2: {  	v8 =	vld [tilespmem:s31+$0xFFFFFFC0]  }
0xa3: {  	v9 =	vld.idx.msk [tilespmem:v0+s3+$0x0], $0xffff  }
0xa4: {  	v10 =	vld.idx.msk [tilespmem:v1+s3+$0x0], $0xffff  }
0xa5: {  	v5 =	vld.idx.msk [tilespmem:v2+s3+$0x0], $0xffff  }
0xa6: {  	v3 =	vld.idx.msk [tilespmem:v3+s3+$0x0], $0xffff  }
0xa7: {  	v0 =	vld.idx.msk [tilespmem:v4+s3+$0x0], $0xffff  }
0xa8: {  	s30 =	simm.s32 $0x1C740;
	v1 =	vld.idx.msk [tilespmem:v6+s3+$0x0], $0xffff  }
0xa9: {  	v2 =	vld.idx.msk [tilespmem:v7+s3+$0x0], $0xffff;
	[tilespmem:s30+$0x30] =	vst v9  }
0xaa: {  	s1 =	simm.s32 $0x187C0;
	s0 =	simm.s32 $0x0;
	v4 =	vld.idx.msk [tilespmem:v8+s3+$0x0], $0xffff;
	[tilespmem:s30+$0xFFFFFFD0] =	vst v10  }
.LBB2_8:
0xab: {  	v6 =	vld [tilespmem:s1+$0x30];
	s0 =	sadd.s32 $0x80, s0;
	[tilespmem:s30+$0xFFFFFFE0] =	vst v5  }
0xac: {  	v5 =	vld [tilespmem:s1+$0xFFFFFFD0];
	p1 =	slt.u32 s0, $0xF80;
	[tilespmem:s30+$0xFFFFFFF0] =	vst v3  }
0xad: {  	v3 =	vld [tilespmem:s1+$0xFFFFFFE0];
	[tilespmem:s30+$0x0] =	vst v0  }
0xae: {  	v0 =	vld [tilespmem:s1+$0xFFFFFFF0];
	[tilespmem:s30+$0x10] =	vst v1  }
0xaf: {  	v1 =	vld [tilespmem:s1+$0x0];
	[tilespmem:s30+$0x20] =	vst v2  }
0xb0: {  	v2 =	vld [tilespmem:s1+$0x10];
	[tilespmem:s30+$0xFFFFFFC0] =	vst v4  }
0xb1: {  	v4 =	vld [tilespmem:s1+$0x20]  }
0xb2: {  	v7 =	vld [tilespmem:s1+$0xFFFFFFC0]  }
0xb3: {  	v6 =	vld.idx.msk [tilespmem:v6+s3+$0x0], $0xffff  }
0xb4: {  	v8 =	vld.idx.msk [tilespmem:v5+s3+$0x0], $0xffff  }
0xb5: {  	v5 =	vld.idx.msk [tilespmem:v3+s3+$0x0], $0xffff  }
.Ltmp7:
0xb6: {  	v3 =	vld.idx.msk [tilespmem:v0+s3+$0x0], $0xffff;
	(pc) =	sbr.rel @p1 .LBB2_8-.Ltmp7, $4  }
0xb7: {  	v0 =	vld.idx.msk [tilespmem:v1+s3+$0x0], $0xffff  }
0xb8: {  	s30 =	sadd.s32 $0x80, s30;
	v1 =	vld.idx.msk [tilespmem:v2+s3+$0x0], $0xffff  }
0xb9: {  	v2 =	vld.idx.msk [tilespmem:v4+s3+$0x0], $0xffff;
	[tilespmem:s30+$0x30] =	vst v6  }
0xba: {  	s1 =	sadd.s32 $0x80, s1;
	v4 =	vld.idx.msk [tilespmem:v7+s3+$0x0], $0xffff;
	[tilespmem:s30+$0xFFFFFFD0] =	vst v8  }
0xbb: {  	[tilespmem:s30+$0xFFFFFFE0] =	vst v5  }
.Ltmp8:
0xbc: {  	[tilespmem:s30+$0xFFFFFFF0] =	vst v3;
	(pc) =	sbr.rel .LBB2_10-.Ltmp8, $4  }
0xbd: {  	[tilespmem:s30+$0x0] =	vst v0  }
0xbe: {  	[tilespmem:s30+$0x10] =	vst v1  }
0xbf: {  	[tilespmem:s30+$0x20] =	vst v2  }
0xc0: {  	[tilespmem:s30+$0xFFFFFFC0] =	vst v4  }
.LBB2_12:
0xc1: {  	_ =	sfence.sel $0x180000  }
0xc2: {  	[bflag:$0x0] =	sbarrier.arrive $0xFFFF  }
0xc3: {  	_ =	strace $0x9000004A  }
0xc4: {  	[bflag:$0x2] =	sbarrier.arrive $0xFFFF  }
0xc5: {  	s0 =	rddreg [dreg:$0x3]  }
0xc6: {  	s0 =	sadd.s32 @!p0 $0x100000, s0  }
0xc7: {  	[sflag:s0] =	ssyncadd.tile.s32 @!p0 $0x1;
	_ =	shalt  }
.Lfunc_end2:
_tile_overlayer_lowered:
.L_overlay_start_2:
0xc8: {  	(tag) =	ssettag $0x2  }
0xc9: {  	s0 =	rddreg [dreg:$0x0];
	s2 =	stileid.u32  }
0xca: {  	s1 =	rddreg [dreg:$0x1];
	p0 =	sne.s32 s2, $0x0  }
0xcb: {  	s3 =	rddreg [dreg:$0x2];
	[bflag:$0x3] =	sbarrier.arrive $0xFFFF;
	s2 =	simm.s32 @!p0 $0x1C02  }
0xcc: {  	[timem:s3], [sflag:s2] =	dma.local @!p0 [hbm:s0], s1  }
0xcd: {  	s0 =	simm.s32 @!p0 $0x2  }
0xce: {  	_ =	swait.ge @!p0 [sflag:s0], s1  }
0xcf: {  	s1 =	ssub.s32 @!p0 $0x0, s1;
	[sflag:s0] =	ssyncset.done @!p0 $0x0  }
0xd0: {  	[sflag:s0] =	ssyncadd.s32 @!p0 s1  }
0xd1: {  	[bflag:$0x3] =	sbarrier.arrive $0xFFFF  }
0xd2: {  	_ =	shalt  }

// kernel: kernel.14.cloned.1.call-start
scs
__scs_entry_jumppad:
0x0: {  	(pc) =	sbr.rel $0x88, $3  }
0x1: {  	(tag) =	ssettag $0x0;
	lr =	simm.s32 $0x1  }
0x2: {  	[smem:$0x3F9B] =	sst lr;
	_ =	strace $0xD0000000  }
0x3: {  	_ = 	snop  }
0x4: {  	_ = 	snop  }
0x5: {  	_ = 	snop  }
0x6: {  	_ = 	snop  }
0x7: {  	_ = 	snop  }
__scs_overlays_trampoline_lowered:
0x8: {  	[smem:$0x3FAA] =	sst s0  }
0x9: {  	[smem:$0x3FAB] =	sst s1  }
0xa: {  	[smem:$0x3FAC] =	sst s2  }
0xb: {  	[smem:$0x3FAD] =	sst s3  }
0xc: {  	[smem:$0x3FAE] =	sst s4  }
0xd: {  	[smem:$0x3FAF] =	sst s5  }
0xe: {  	[smem:$0x3FB0] =	sst s6  }
0xf: {  	[smem:$0x3FB1] =	sst s7  }
0x10: {  	[smem:$0x3FB2] =	sst s8  }
0x11: {  	[smem:$0x3FB3] =	sst s9;
	s0 =	simm.s32 @!p0 $0x0  }
0x12: {  	s1 =	sld [smem:$0x3F99];
	s0 =	simm.s32 @p0 $0x1  }
0x13: {  	[smem:$0x3FB4] =	sst s0;
	s0 =	simm.s32 @!p1 $0x0  }
0x14: {  	s2 =	sld [smem:$0x3F98];
	s0 =	simm.s32 @p1 $0x1  }
0x15: {  	[smem:$0x3FB5] =	sst s0;
	s0 =	simm.s32 @!p2 $0x0  }
0x16: {  	s3 =	sld [smem:$0x3FDB];
	s0 =	simm.s32 @p2 $0x1  }
0x17: {  	s4 =	simm.s32 $0x1BF5;
	[smem:$0x3FB7] =	sst s0  }
0x18: {  	s0 =	sld [smem:$0x3F9A];
	_ =	swait.ge [sflag:s4], $0x0  }
0x19: {  	s7 =	sld [smem:$0x3F9B]  }
0x1a: {  	s8 =	sadd.s32 $0xFFFFE003, lr  }
0x1b: {  	s9 =	sadd.s32 $0xFFFFFEF7, lr;
	s5 =	simm.s32 $0xFFFFFFFF;
	p2 =	slt.u32 s8, $0xFFFFF086  }
0x1c: {  	p1 =	slt.u32 s9, $0xF7A;
	s5 =	simm.s32 @!p2 $0x0  }
0x1d: {  	s5 =	simm.s32 @p1 $0x1;
	p0 =	seq.s32 s7, s2  }
0x1e: {  	s7 =	smul.u32 @!p0 $0xF7A, s2;
	p2 =	seq.s32 @!p0 s5, $0x0  }
0x1f: {  	s9 =	smul.u32 $0xF7A, s1;
	s8 =	simm.s32 @!p0 $0x1BF5;
	p2 =	por !p2, p0  }
0x20: {  	[sflag:s8] =	ssyncset.s32 @!p0 $0xFFFFF086;
	s6 =	sadd.s32 @!p0 s3, s7;
	s7 =	simm.s32 @!p0 $0x108  }
0x21: {  	s3 =	sadd.s32 s3, s9;
	s6 =	sadd.s32 @!p0 $0x88, s6;
	s7 =	simm.s32 @p2 $0x1082  }
0x22: {  	[simem:s7], [sflag:s8] =	dma.local @!p0 [hbm:s6], $0xF7A  }
0x23: {  	s9 =	sor.u32 $0xD0000000, s2;
	s6 =	simm.s32 $0x108;
	_ =	swait.ge @!p0 [sflag:s8], $0x0  }
0x24: {  	s3 =	sadd.s32 $0x88, s3;
	s6 =	simm.s32 @!p1 $0x1082;
	[sflag:s4] =	ssyncset.s32 $0xFFFFF086  }
0x25: {  	[simem:s6], [sflag:s4] =	dma.local [hbm:s3], $0xF7A  }
0x26: {  	[smem:$0x3F9B] =	sst s1;
	(tag) =	ssettag s2;
	_ =	strace s9  }
0x27: {  	s1 =	sld [smem:$0x3FAB]  }
0x28: {  	s2 =	sld [smem:$0x3FAC]  }
0x29: {  	s4 =	sld [smem:$0x3FAE]  }
0x2a: {  	p0 =	seq.s32 s5, $0x0;
	s5 =	sld [smem:$0x3FAF]  }
0x2b: {  	s6 =	sld [smem:$0x3FB0]  }
0x2c: {  	s7 =	sld [smem:$0x3FB1]  }
0x2d: {  	s3 =	simm.s32 $0x108;
	s8 =	sld [smem:$0x3FB2]  }
0x2e: {  	s3 =	simm.s32 @!p0 $0x1082;
	s9 =	sld [smem:$0x3FB3]  }
0x2f: {  	lr =	sadd.s32 s0, s3;
	s0 =	sld [smem:$0x3FAA]  }
0x30: {  	s3 =	sld [smem:$0x3FAD]  }
0x31: {  	[smem:$0x3FB6] =	sst s10  }
0x32: {  	s10 =	sld [smem:$0x3FB4];
	_ =	sdelay $0x3  }
0x33: {  	p0 =	seq.s32 s10, $0x1;
	s10 =	sld [smem:$0x3FB6];
	_ =	sdelay $0x3  }
0x34: {  	[smem:$0x3FB6] =	sst s10  }
0x35: {  	s10 =	sld [smem:$0x3FB5];
	_ =	sdelay $0x3  }
0x36: {  	p1 =	seq.s32 s10, $0x1;
	s10 =	sld [smem:$0x3FB6];
	_ =	sdelay $0x3  }
0x37: {  	[smem:$0x3FB6] =	sst s10  }
0x38: {  	s10 =	sld [smem:$0x3FB7]  }
0x39: {  	_ = 	snop;
	(pc) =	sbr.ind lr, $3  }
0x3a: {  	_ = 	snop  }
0x3b: {  	_ = 	snop  }
0x3c: {  	p2 =	seq.s32 s10, $0x1;
	s10 =	sld [smem:$0x3FB6]  }
0x3d: {  	_ =	shalt  }
0x3e: {  	_ =	shalt  }
0x3f: {  	_ =	shalt  }
0x40: {  	_ =	shalt  }
0x41: {  	_ =	shalt  }
0x42: {  	_ =	shalt  }
0x43: {  	_ =	shalt  }
0x44: {  	_ =	shalt  }
0x45: {  	_ =	shalt  }
0x46: {  	_ =	shalt  }
0x47: {  	_ =	shalt  }
0x48: {  	_ =	shalt  }
0x49: {  	_ =	shalt  }
0x4a: {  	_ =	shalt  }
0x4b: {  	_ =	shalt  }
0x4c: {  	_ =	shalt  }
0x4d: {  	_ =	shalt  }
0x4e: {  	_ =	shalt  }
0x4f: {  	_ =	shalt  }
0x50: {  	_ =	shalt  }
0x51: {  	_ =	shalt  }
0x52: {  	_ =	shalt  }
0x53: {  	_ =	shalt  }
0x54: {  	_ =	shalt  }
0x55: {  	_ =	shalt  }
0x56: {  	_ =	shalt  }
0x57: {  	_ =	shalt  }
0x58: {  	_ =	shalt  }
0x59: {  	_ =	shalt  }
0x5a: {  	_ =	shalt  }
0x5b: {  	_ =	shalt  }
0x5c: {  	_ =	shalt  }
0x5d: {  	_ =	shalt  }
0x5e: {  	_ =	shalt  }
0x5f: {  	_ =	shalt  }
0x60: {  	_ =	shalt  }
0x61: {  	_ =	shalt  }
0x62: {  	_ =	shalt  }
0x63: {  	_ =	shalt  }
0x64: {  	_ =	shalt  }
0x65: {  	_ =	shalt  }
0x66: {  	_ =	shalt  }
0x67: {  	_ =	shalt  }
0x68: {  	_ =	shalt  }
0x69: {  	_ =	shalt  }
0x6a: {  	_ =	shalt  }
0x6b: {  	_ =	shalt  }
0x6c: {  	_ =	shalt  }
0x6d: {  	_ =	shalt  }
0x6e: {  	_ =	shalt  }
0x6f: {  	_ =	shalt  }
0x70: {  	_ =	shalt  }
0x71: {  	_ =	shalt  }
0x72: {  	_ =	shalt  }
0x73: {  	_ =	shalt  }
0x74: {  	_ =	shalt  }
0x75: {  	_ =	shalt  }
0x76: {  	_ =	shalt  }
0x77: {  	_ =	shalt  }
0x78: {  	_ =	shalt  }
0x79: {  	_ =	shalt  }
0x7a: {  	_ =	shalt  }
0x7b: {  	_ =	shalt  }
0x7c: {  	_ =	shalt  }
0x7d: {  	_ =	shalt  }
0x7e: {  	_ =	shalt  }
0x7f: {  	_ =	shalt  }
0x80: {  	_ =	shalt  }
0x81: {  	_ =	shalt  }
0x82: {  	_ =	shalt  }
0x83: {  	_ =	shalt  }
0x84: {  	_ =	shalt  }
0x85: {  	_ =	shalt  }
0x86: {  	_ =	shalt  }
0x87: {  	_ =	shalt  }
.Lfunc_end0:
.L_simem_size_0:
called_computation.2_lowered:
.L_overlay_start_0:
0x88: {  	s2 =	sld [smem:$0x3FD9]  }
0x89: {  	s3 =	sld [smem:$0x3FFE];
	_ =	sdelay $0x1  }
0x8a: {  	s1 =	srdreg.scid  }
0x8b: {  	s0 =	sand.u32 $0x1, s1  }
0x8c: {  	s17 =	sshll.u32 s0, $0xA;
	s2 =	sadd.s32 s3, s2  }
0x8d: {  	s2 =	sadd.s32 s2, s17  }
0x8e: {  	[smem:$0x3FC2] =	sst s2  }
0x8f: {  	_ = 	snop  }
0x90: {  	s2 =	sld [smem:$0x3FD0];
	(tm) =	ssettm $0x1  }
0x91: {  	s18 =	sld [smem:$0x3FFB];
	_ =	sdelay $0x3  }
0x92: {  	_ =	strace s18  }
0x93: {  	s3 =	sld [smem:$0x3FFC];
	_ =	sdelay $0x3  }
0x94: {  	_ =	strace s3  }
0x95: {  	s3 =	sld [smem:$0x3FFD];
	_ =	sdelay $0x3  }
0x96: {  	_ =	strace s3  }
0x97: {  	_ =	strace $0x8FFFFFFF  }
0x98: {  	s19 =	sld [smem:$0x3FDB];
	_ =	sdelay $0x1  }
0x99: {  	s4 =	simm.s32 $_scs_section_size  }
0x9a: {  	s5 =	simm.s32 $_size__tile_overlayer_lowered;
	s6 =	simm.s32 $_tile_overlayer_lowered  }
0x9b: {  	s22 =	simm.s32 $0x1BFF;
	s21 =	sshll.u32 s6, $0x1;
	s3 =	sadd.s32 s4, s19  }
0x9c: {  	s7 =	simm.s32 $0x0;
	s20 =	sshll.u32 s5, $0x1;
	s5 =	sadd.s32 s21, s3  }
0x9d: {  	[timem:s7], [sflag:s22] =	dma.local [hbm:s5], s20  }
0x9e: {  	_ =	swait.ge [sflag:s22], s20  }
0x9f: {  	s4 =	ssub.s32 $0x0, s20;
	[sflag:s22] =	ssyncset.done $0x0  }
0xa0: {  	[sflag:s22] =	ssyncadd.s32 s4;
	_ =	sdelay $0x1  }
0xa1: {  	s23 =	simm.s32 $0x1B8B  }
0xa2: {  	_ =	swait.ge [sflag:s23], $0x1  }
0xa3: {  	[sflag:s23] =	ssyncset.done $0x0  }
0xa4: {  	s25 =	simm.s32 $0x1B8E;
	s24 =	sld [smem:$0x3FFE];
	[sflag:s23] =	ssyncadd.s32 $0xFFFFFFFF  }
0xa5: {  	s26 =	simm.s32 $execute0_lowered;
	[smem:$0x3FD2] =	sst s25  }
0xa6: {  	s5 =	sshll.u32 s26, $0x1;
	_ =	strace $0x8000004C;
	[dreg:$0x1] =	wrdreg $0xFFFFFFFF  }
0xa7: {  	s28 =	simm.s32 $_size_execute0_lowered;
	s3 =	sadd.s32 s3, s5;
	[dreg:$0x0] =	wrdreg $0x0  }
0xa8: {  	s5 =	sshll.u32 s28, $0x1;
	[dreg:$0x2] =	wrdreg s3  }
0xa9: {  	[dreg:$0x3] =	wrdreg s5  }
0xaa: {  	[dreg:$0x4] =	wrdreg $0xC0  }
0xab: {  	_ =	task [dreg:s7], $0x5FFFF  }
0xac: {  	[dreg:$0x1] =	wrdreg $0xFFFFFFFF  }
0xad: {  	[dreg:$0x0] =	wrdreg $0x60  }
0xae: {  	[dreg:$0x2] =	wrdreg s24  }
0xaf: {  	[dreg:$0x3] =	wrdreg s2  }
0xb0: {  	[dreg:$0x4] =	wrdreg $0x1E7000  }
0xb1: {  	[dreg:$0x5] =	wrdreg $0x9  }
0xb2: {  	_ =	task.clear_ibuf [dreg:s7], $0x6FFFF;
	_ =	strace $0x9000004C  }
0xb3: {  	s29 =	simm.s32 $0x9;
	_ =	strace $0x8000004E  }
0xb4: {  	_ =	swait.ge [sflag:s29], $0x1  }
0xb5: {  	[sflag:s29] =	ssyncadd.s32 $0xFFFFFFFF  }
0xb6: {  	_ =	strace $0x9000004E  }
0xb7: {  	_ =	sfence  }
0xb8: {  	s30 =	sld [smem:$0x0];
	_ =	sdelay $0x2  }
0xb9: {  	s31 =	sshll.u32 s1, $0xD;
	s1 =	sshrl.u32 s1, $0x2  }
0xba: {  	s3 =	sand.u32 $0x4000, s31;
	s1 =	sadd.s32 s1, s30  }
0xbb: {  	s0 =	sor.u32 s3, s0;
	s1 =	sshll.u32 s1, $0x11  }
0xbc: {  	s0 =	sor.u32 s1, s0  }
0xbd: {  	s0 =	sadd.s32 $0x8F2B, s0  }
0xbe: {  	[sflag:s0] =	ssyncadd.remote.s32 $0x1  }
0xbf: {  	_ =	sfence.sel $0xFFFF  }
0xc0: {  	[dreg:$0x0] =	wrdreg $0xFFFFFFFF;
	(pc) =	sbr.abs _section_cstart, $3  }
0xc1: {  	[dreg:$0x1] =	wrdreg $0xFFFFFFFF  }
0xc2: {  	_ =	task.clear_ibuf [dreg:s7], $0x2FFFF;
	_ =	strace $0x9FFFFFFF  }
0xc3: {  	(tm) =	ssettm $0x7FFFFFFF  }
tec
execute0_lowered:
.L_overlay_start_1:
0x0: {  	(tag) =	ssettag $0x1  }
0x1: {  	s0 =	rddreg [dreg:$0x0]  }
0x2: {  	s2 =	rddreg [dreg:$0x2]  }
0x3: {  	s1 =	srdreg.scid;
	s3 =	stileid.u32  }
0x4: {  	s4 =	simm.s32 $0x0;
	s15 =	simm.s32 $0x2;
	s16 =	simm.s32 $0x18700  }
0x5: {  	s17 =	simm.s32 $0x1A700;
	s18 =	simm.s32 $0x1000;
	s19 =	simm.s32 $0x1C700  }
0x6: {  	s20 =	simm.s32 $0x19700;
	s21 =	simm.s32 $0x1B700;
	s22 =	simm.s32 $0x1  }
0x7: {  	s23 =	simm.s32 $0x1D700;
	s25 =	simm.s32 $0x20;
	s26 =	simm.s32 $0x10  }
0x8: {  	s28 =	simm.s32 $0x0;
	s1 =	sand.u32 $0x1, s1;
	s6 =	smul.u32 $0x3100, s3  }
0x9: {  	[smem:$0x7FF] =	sst s4;
	s5 =	sadd.s32 $0xC6400, s0;
	s10 =	smul.u32 $0x64000, s3  }
0xa: {  	s13 =	smul.u32 $0x6200, s3;
	s7 =	sshll.u32 s1, $0x7;
	_ =	strace $0x8000004D  }
0xb: {  	s8 =	ssub.s32 $0x2, s1;
	p0 =	seq.s32 s1, $0x1;
	s6 =	sor.u32 s7, s6  }
0xc: {  	s29 =	sshrl.u32 s8, $0x1;
	s30 =	sshrl.u32 s10, $0x3;
	s9 =	sor.u32 $0x1000, s10  }
0xd: {  	s10 =	sor.u32 $0x2000, s10;
	s31 =	sshrl.u32 s13, $0x2;
	s13 =	simm.s32 $0x6000  }
.Ltmp0:
0xe: {  	s7 =	sshrl.u32 s6, $0x3;
	s6 =	sadd.s32 $0x18E400, s0;
	(pc) =	sbr.rel .LBB2_1-.Ltmp0, $4  }
0xf: {  	s12 =	ssub.s32 s8, s29;
	s1 =	sadd.s32 s31, s2;
	s13 =	simm.s32 @!p0 $0x2E00  }
0x10: {  	p0 =	sne.s32 s3, $0x0;
	s11 =	sadd.s32 s7, s0;
	s7 =	sadd.s32 s5, s30  }
0x11: {  	s8 =	sadd.s32 s6, s30;
	s12 =	smax.u32 s12, $0x1;
	s13 =	sadd.s32 s13, s0  }
0x12: {  	s14 =	sshrl.u32 @!p0 s2, $0x3;
	s24 =	sshrl.u32 s1, $0x3;
	s11 =	sadd.s32 $0x9200, s11  }
.LBB2_11:
0x13: {  	s28 =	sadd.s32 $0x1, s28  }
0x14: {  	s0 =	sshll.u32 s3, $0x6;
	p1 =	sne.s32 s28, s12  }
.Ltmp1:
0x15: {  	[bflag:$0x0] =	sbarrier.arrive $0xFFFF;
	s0 =	sor.u32 $0x1C02, s0;
	(pc) =	sbr.rel @!p1 .LBB2_12-.Ltmp1, $4  }
0x16: {  	[hbm:s11@s25], [sflag:s0] =	dma.strided [spmem:s24@s26], $0x310, s22, $0x10   }
0x17: {  	_ =	swait.ge [sflag:s15], $0x310  }
0x18: {  	[sflag:s15] =	ssyncset.done $0x0  }
0x19: {  	[sflag:s15] =	ssyncadd.s32 $0xFFFFFCF0  }
.LBB2_1:
0x1a: {  	s0 =	simm.s32 @!p0 $0x1C02;
	s1 =	rddreg [dreg:$0x1]  }
0x1b: {  	[spmem:s14], [sflag:s0] =	dma.local @!p0 [hbm:s1], $0x3100  }
0x1c: {  	s0 =	simm.s32 @!p0 $0x2  }
0x1d: {  	_ =	swait.ge @!p0 [sflag:s0], $0x3100  }
0x1e: {  	[sflag:s0] =	ssyncset.done @!p0 $0x0  }
0x1f: {  	[sflag:s0] =	ssyncadd.s32 @!p0 $0xFFFFCF00  }
0x20: {  	[tilespmem:s4], [sflag:$0x2] =	stream.linear.gather [hbm4b:s13+s4], $0x186A0, $0x38;
	[tilespmem:$0x1FF80] =	vst v63  }
0x21: {  	_ =	swait.ge [sflag:s15], $0x186A0  }
0x22: {  	[sflag:s15] =	ssyncset.done $0x0  }
0x23: {  	[sflag:s15] =	ssyncadd.s32 $0xFFFE7960  }
0x24: {  	[tilespmem:s16], [sflag:$0x2] =	stream.linear.gather [hbm4b:s7+s4], $0x1000, $0x38;
	[tilespmem:$0x1FF80] =	vst v63  }
0x25: {  	_ =	swait.ge [sflag:s15], $0x1000  }
0x26: {  	[sflag:s15] =	ssyncset.done $0x0  }
0x27: {  	[sflag:s15] =	ssyncadd.s32 $0xFFFFF000  }
0x28: {  	[tilespmem:s17], [sflag:$0x2] =	stream.linear.gather [hbm4b:s8+s4], $0x1000, $0x38;
	[tilespmem:$0x1FF80] =	vst v63  }
0x29: {  	_ =	swait.ge [sflag:s15], $0x1000  }
0x2a: {  	[sflag:s15] =	ssyncset.done $0x0  }
0x2b: {  	[sflag:s15] =	ssyncadd.s32 $0xFFFFF000  }
0x2c: {  	s29 =	simm.s32 $0x18740;
	[bflag:$0x0] =	sbarrier.arrive $0xFFFF  }
0x2d: {  	v0 =	vld [tilespmem:s29+$0x30]  }
0x2e: {  	v1 =	vld [tilespmem:s29+$0xFFFFFFD0]  }
0x2f: {  	v2 =	vld [tilespmem:s29+$0xFFFFFFE0]  }
0x30: {  	v3 =	vld [tilespmem:s29+$0xFFFFFFF0]  }
0x31: {  	v4 =	vld [tilespmem:s29+$0x0]  }
0x32: {  	v6 =	vld [tilespmem:s29+$0x10]  }
0x33: {  	v7 =	vld [tilespmem:s29+$0x20]  }
0x34: {  	v8 =	vld [tilespmem:s29+$0xFFFFFFC0]  }
0x35: {  	v9 =	vld.idx.msk [tilespmem:v0+s4+$0x0], $0xffff  }
0x36: {  	v10 =	vld.idx.msk [tilespmem:v1+s4+$0x0], $0xffff  }
0x37: {  	v5 =	vld.idx.msk [tilespmem:v2+s4+$0x0], $0xffff  }
0x38: {  	v3 =	vld.idx.msk [tilespmem:v3+s4+$0x0], $0xffff  }
0x39: {  	v0 =	vld.idx.msk [tilespmem:v4+s4+$0x0], $0xffff  }
0x3a: {  	s30 =	simm.s32 $0x1C740;
	v1 =	vld.idx.msk [tilespmem:v6+s4+$0x0], $0xffff  }
0x3b: {  	v2 =	vld.idx.msk [tilespmem:v7+s4+$0x0], $0xffff;
	[tilespmem:s30+$0x30] =	vst v9  }
0x3c: {  	s31 =	simm.s32 $0x0;
	s0 =	simm.s32 $0x187C0;
	v4 =	vld.idx.msk [tilespmem:v8+s4+$0x0], $0xffff;
	[tilespmem:s30+$0xFFFFFFD0] =	vst v10  }
.LBB2_2:
0x3d: {  	v6 =	vld [tilespmem:s0+$0x30];
	s31 =	sadd.s32 $0x80, s31;
	[tilespmem:s30+$0xFFFFFFE0] =	vst v5  }
0x3e: {  	v5 =	vld [tilespmem:s0+$0xFFFFFFD0];
	p1 =	slt.u32 s31, $0xF80;
	[tilespmem:s30+$0xFFFFFFF0] =	vst v3  }
0x3f: {  	v3 =	vld [tilespmem:s0+$0xFFFFFFE0];
	[tilespmem:s30+$0x0] =	vst v0  }
0x40: {  	v0 =	vld [tilespmem:s0+$0xFFFFFFF0];
	[tilespmem:s30+$0x10] =	vst v1  }
0x41: {  	v1 =	vld [tilespmem:s0+$0x0];
	[tilespmem:s30+$0x20] =	vst v2  }
0x42: {  	v2 =	vld [tilespmem:s0+$0x10];
	[tilespmem:s30+$0xFFFFFFC0] =	vst v4  }
0x43: {  	v4 =	vld [tilespmem:s0+$0x20]  }
0x44: {  	s29 =	simm.s32 $0x0;
	v7 =	vld [tilespmem:s0+$0xFFFFFFC0]  }
0x45: {  	v6 =	vld.idx.msk [tilespmem:v6+s29+$0x0], $0xffff  }
0x46: {  	v8 =	vld.idx.msk [tilespmem:v5+s29+$0x0], $0xffff  }
0x47: {  	v5 =	vld.idx.msk [tilespmem:v3+s29+$0x0], $0xffff  }
.Ltmp2:
0x48: {  	v3 =	vld.idx.msk [tilespmem:v0+s29+$0x0], $0xffff;
	(pc) =	sbr.rel @p1 .LBB2_2-.Ltmp2, $4  }
0x49: {  	v0 =	vld.idx.msk [tilespmem:v1+s29+$0x0], $0xffff  }
0x4a: {  	s30 =	sadd.s32 $0x80, s30;
	v1 =	vld.idx.msk [tilespmem:v2+s29+$0x0], $0xffff  }
0x4b: {  	v2 =	vld.idx.msk [tilespmem:v4+s29+$0x0], $0xffff;
	[tilespmem:s30+$0x30] =	vst v6  }
0x4c: {  	s0 =	sadd.s32 $0x80, s0;
	v4 =	vld.idx.msk [tilespmem:v7+s29+$0x0], $0xffff;
	[tilespmem:s30+$0xFFFFFFD0] =	vst v8  }
0x4d: {  	[tilespmem:s30+$0xFFFFFFE0] =	vst v5  }
.Ltmp3:
0x4e: {  	[tilespmem:s30+$0xFFFFFFF0] =	vst v3;
	(pc) =	sbr.rel .LBB2_4-.Ltmp3, $4  }
0x4f: {  	[tilespmem:s30+$0x0] =	vst v0  }
0x50: {  	[tilespmem:s30+$0x10] =	vst v1  }
0x51: {  	[tilespmem:s30+$0x20] =	vst v2  }
0x52: {  	[tilespmem:s30+$0xFFFFFFC0] =	vst v4  }
.LBB2_10:
0x53: {  	s29 =	sadd.s32 $0x1, s29  }
0x54: {  	p1 =	sne.s32 s29, $0x32  }
.Ltmp4:
0x55: {  	_ = 	snop;
	(pc) =	sbr.rel @!p1 .LBB2_11-.Ltmp4, $4  }
0x56: {  	_ = 	snop  }
0x57: {  	_ =	swait.ge [sflag:s22], $0x1000  }
0x58: {  	[sflag:s22] =	ssyncset.done $0x0  }
0x59: {  	[sflag:s22] =	ssyncadd.s32 $0xFFFFF000  }
.LBB2_4:
0x5a: {  	s30 =	sshll.u32 s29, $0xD  }
0x5b: {  	[spmem:s2] =	stream.indirect.scatter.add.f32 [tilespmem:s19], [sflag:$0x1], $0x1, s17, s18, $0xb8;
	[tilespmem:$0x1FF80] =	vst v63  }
0x5c: {  	s0 =	sadd.s32 s30, s9  }
0x5d: {  	s0 =	sshrl.u32 s0, $0x3  }
0x5e: {  	s1 =	sadd.s32 s5, s0  }
0x5f: {  	[tilespmem:s20], [sflag:$0x2] =	stream.linear.gather [hbm4b:s1+s4], $0x1000, $0x38;
	[tilespmem:$0x1FF80] =	vst v63  }
0x60: {  	_ =	swait.ge [sflag:s15], $0x1000  }
0x61: {  	[sflag:s15] =	ssyncset.done $0x0  }
0x62: {  	s0 =	sadd.s32 s6, s0;
	[sflag:s15] =	ssyncadd.s32 $0xFFFFF000  }
0x63: {  	[tilespmem:s21], [sflag:$0x2] =	stream.linear.gather [hbm4b:s0+s4], $0x1000, $0x38;
	[tilespmem:$0x1FF80] =	vst v63  }
0x64: {  	_ =	swait.ge [sflag:s15], $0x1000  }
0x65: {  	[sflag:s15] =	ssyncset.done $0x0  }
0x66: {  	s1 =	simm.s32 $0x19740;
	[sflag:s15] =	ssyncadd.s32 $0xFFFFF000  }
0x67: {  	v0 =	vld [tilespmem:s1+$0x30]  }
0x68: {  	v1 =	vld [tilespmem:s1+$0xFFFFFFD0]  }
0x69: {  	v2 =	vld [tilespmem:s1+$0xFFFFFFE0]  }
0x6a: {  	v3 =	vld [tilespmem:s1+$0xFFFFFFF0]  }
0x6b: {  	v4 =	vld [tilespmem:s1+$0x0]  }
0x6c: {  	v6 =	vld [tilespmem:s1+$0x10]  }
0x6d: {  	v7 =	vld [tilespmem:s1+$0x20]  }
0x6e: {  	v8 =	vld [tilespmem:s1+$0xFFFFFFC0]  }
0x6f: {  	v9 =	vld.idx.msk [tilespmem:v0+s4+$0x0], $0xffff  }
0x70: {  	v10 =	vld.idx.msk [tilespmem:v1+s4+$0x0], $0xffff  }
0x71: {  	v5 =	vld.idx.msk [tilespmem:v2+s4+$0x0], $0xffff  }
0x72: {  	v3 =	vld.idx.msk [tilespmem:v3+s4+$0x0], $0xffff  }
0x73: {  	v0 =	vld.idx.msk [tilespmem:v4+s4+$0x0], $0xffff  }
0x74: {  	s31 =	simm.s32 $0x1D740;
	v1 =	vld.idx.msk [tilespmem:v6+s4+$0x0], $0xffff  }
0x75: {  	v2 =	vld.idx.msk [tilespmem:v7+s4+$0x0], $0xffff;
	[tilespmem:s31+$0x30] =	vst v9  }
0x76: {  	s0 =	simm.s32 $0x0;
	s1 =	simm.s32 $0x197C0;
	v4 =	vld.idx.msk [tilespmem:v8+s4+$0x0], $0xffff;
	[tilespmem:s31+$0xFFFFFFD0] =	vst v10  }
.LBB2_5:
0x77: {  	v6 =	vld [tilespmem:s1+$0x30];
	s0 =	sadd.s32 $0x80, s0;
	[tilespmem:s31+$0xFFFFFFE0] =	vst v5  }
0x78: {  	v5 =	vld [tilespmem:s1+$0xFFFFFFD0];
	p1 =	slt.u32 s0, $0xF80;
	[tilespmem:s31+$0xFFFFFFF0] =	vst v3  }
0x79: {  	v3 =	vld [tilespmem:s1+$0xFFFFFFE0];
	[tilespmem:s31+$0x0] =	vst v0  }
0x7a: {  	v0 =	vld [tilespmem:s1+$0xFFFFFFF0];
	[tilespmem:s31+$0x10] =	vst v1  }
0x7b: {  	v1 =	vld [tilespmem:s1+$0x0];
	[tilespmem:s31+$0x20] =	vst v2  }
0x7c: {  	v2 =	vld [tilespmem:s1+$0x10];
	[tilespmem:s31+$0xFFFFFFC0] =	vst v4  }
0x7d: {  	v4 =	vld [tilespmem:s1+$0x20]  }
0x7e: {  	v7 =	vld [tilespmem:s1+$0xFFFFFFC0]  }
0x7f: {  	v6 =	vld.idx.msk [tilespmem:v6+s4+$0x0], $0xffff  }
0x80: {  	v8 =	vld.idx.msk [tilespmem:v5+s4+$0x0], $0xffff  }
0x81: {  	v5 =	vld.idx.msk [tilespmem:v3+s4+$0x0], $0xffff  }
.Ltmp5:
0x82: {  	v3 =	vld.idx.msk [tilespmem:v0+s4+$0x0], $0xffff;
	(pc) =	sbr.rel @p1 .LBB2_5-.Ltmp5, $4  }
0x83: {  	v0 =	vld.idx.msk [tilespmem:v1+s4+$0x0], $0xffff  }
0x84: {  	s31 =	sadd.s32 $0x80, s31;
	v1 =	vld.idx.msk [tilespmem:v2+s4+$0x0], $0xffff  }
0x85: {  	v2 =	vld.idx.msk [tilespmem:v4+s4+$0x0], $0xffff;
	[tilespmem:s31+$0x30] =	vst v6  }
0x86: {  	s1 =	sadd.s32 $0x80, s1;
	v4 =	vld.idx.msk [tilespmem:v7+s4+$0x0], $0xffff;
	[tilespmem:s31+$0xFFFFFFD0] =	vst v8  }
0x87: {  	[tilespmem:s31+$0xFFFFFFE0] =	vst v5  }
0x88: {  	[tilespmem:s31+$0xFFFFFFF0] =	vst v3  }
0x89: {  	[tilespmem:s31+$0x0] =	vst v0  }
0x8a: {  	[tilespmem:s31+$0x10] =	vst v1  }
0x8b: {  	p1 =	seq.s32 s29, $0x31;
	[tilespmem:s31+$0x20] =	vst v2  }
.Ltmp6:
0x8c: {  	[tilespmem:s31+$0xFFFFFFC0] =	vst v4;
	(pc) =	sbr.rel @p1 .LBB2_10-.Ltmp6, $4  }
0x8d: {  	_ =	swait.ge [sflag:s22], $0x1000  }
0x8e: {  	[sflag:s22] =	ssyncset.done $0x0  }
0x8f: {  	[sflag:s22] =	ssyncadd.s32 $0xFFFFF000  }
0x90: {  	[spmem:s2] =	stream.indirect.scatter.add.f32 [tilespmem:s23], [sflag:$0x1], $0x1, s21, s18, $0xb8;
	[tilespmem:$0x1FF80] =	vst v63  }
0x91: {  	s0 =	sadd.s32 s30, s10  }
0x92: {  	s0 =	sshrl.u32 s0, $0x3  }
0x93: {  	s1 =	sadd.s32 s5, s0  }
0x94: {  	[tilespmem:s16], [sflag:$0x2] =	stream.linear.gather [hbm4b:s1+s4], $0x1000, $0x38;
	[tilespmem:$0x1FF80] =	vst v63  }
0x95: {  	_ =	swait.ge [sflag:s15], $0x1000  }
0x96: {  	[sflag:s15] =	ssyncset.done $0x0  }
0x97: {  	s0 =	sadd.s32 s6, s0;
	[sflag:s15] =	ssyncadd.s32 $0xFFFFF000  }
0x98: {  	[tilespmem:s17], [sflag:$0x2] =	stream.linear.gather [hbm4b:s0+s4], $0x1000, $0x38;
	[tilespmem:$0x1FF80] =	vst v63  }
0x99: {  	_ =	swait.ge [sflag:s15], $0x1000  }
0x9a: {  	[sflag:s15] =	ssyncset.done $0x0  }
0x9b: {  	s31 =	simm.s32 $0x18740;
	[sflag:s15] =	ssyncadd.s32 $0xFFFFF000  }
0x9c: {  	v0 =	vld [tilespmem:s31+$0x30]  }
0x9d: {  	v1 =	vld [tilespmem:s31+$0xFFFFFFD0]  }
0x9e: {  	v2 =	vld [tilespmem:s31+$0xFFFFFFE0]  }
0x9f: {  	v3 =	vld [tilespmem:s31+$0xFFFFFFF0]  }
0xa0: {  	v4 =	vld [tilespmem:s31+$0x0]  }
0xa1: {  	v6 =	vld [tilespmem:s31+$0x10]  }
0xa2: {  	v7 =	vld [tilespmem:s31+$0x20]  }
0xa3: {  	v8 =	vld [tilespmem:s31+$0xFFFFFFC0]  }
0xa4: {  	v9 =	vld.idx.msk [tilespmem:v0+s4+$0x0], $0xffff  }
0xa5: {  	v10 =	vld.idx.msk [tilespmem:v1+s4+$0x0], $0xffff  }
0xa6: {  	v5 =	vld.idx.msk [tilespmem:v2+s4+$0x0], $0xffff  }
0xa7: {  	v3 =	vld.idx.msk [tilespmem:v3+s4+$0x0], $0xffff  }
0xa8: {  	v0 =	vld.idx.msk [tilespmem:v4+s4+$0x0], $0xffff  }
0xa9: {  	s30 =	simm.s32 $0x1C740;
	v1 =	vld.idx.msk [tilespmem:v6+s4+$0x0], $0xffff  }
0xaa: {  	v2 =	vld.idx.msk [tilespmem:v7+s4+$0x0], $0xffff;
	[tilespmem:s30+$0x30] =	vst v9  }
0xab: {  	s1 =	simm.s32 $0x187C0;
	s0 =	simm.s32 $0x0;
	v4 =	vld.idx.msk [tilespmem:v8+s4+$0x0], $0xffff;
	[tilespmem:s30+$0xFFFFFFD0] =	vst v10  }
.LBB2_8:
0xac: {  	v6 =	vld [tilespmem:s1+$0x30];
	s0 =	sadd.s32 $0x80, s0;
	[tilespmem:s30+$0xFFFFFFE0] =	vst v5  }
0xad: {  	v5 =	vld [tilespmem:s1+$0xFFFFFFD0];
	p1 =	slt.u32 s0, $0xF80;
	[tilespmem:s30+$0xFFFFFFF0] =	vst v3  }
0xae: {  	v3 =	vld [tilespmem:s1+$0xFFFFFFE0];
	[tilespmem:s30+$0x0] =	vst v0  }
0xaf: {  	v0 =	vld [tilespmem:s1+$0xFFFFFFF0];
	[tilespmem:s30+$0x10] =	vst v1  }
0xb0: {  	v1 =	vld [tilespmem:s1+$0x0];
	[tilespmem:s30+$0x20] =	vst v2  }
0xb1: {  	v2 =	vld [tilespmem:s1+$0x10];
	[tilespmem:s30+$0xFFFFFFC0] =	vst v4  }
0xb2: {  	v4 =	vld [tilespmem:s1+$0x20]  }
0xb3: {  	v7 =	vld [tilespmem:s1+$0xFFFFFFC0]  }
0xb4: {  	v6 =	vld.idx.msk [tilespmem:v6+s4+$0x0], $0xffff  }
0xb5: {  	v8 =	vld.idx.msk [tilespmem:v5+s4+$0x0], $0xffff  }
0xb6: {  	v5 =	vld.idx.msk [tilespmem:v3+s4+$0x0], $0xffff  }
.Ltmp7:
0xb7: {  	v3 =	vld.idx.msk [tilespmem:v0+s4+$0x0], $0xffff;
	(pc) =	sbr.rel @p1 .LBB2_8-.Ltmp7, $4  }
0xb8: {  	v0 =	vld.idx.msk [tilespmem:v1+s4+$0x0], $0xffff  }
0xb9: {  	s30 =	sadd.s32 $0x80, s30;
	v1 =	vld.idx.msk [tilespmem:v2+s4+$0x0], $0xffff  }
0xba: {  	v2 =	vld.idx.msk [tilespmem:v4+s4+$0x0], $0xffff;
	[tilespmem:s30+$0x30] =	vst v6  }
0xbb: {  	s1 =	sadd.s32 $0x80, s1;
	v4 =	vld.idx.msk [tilespmem:v7+s4+$0x0], $0xffff;
	[tilespmem:s30+$0xFFFFFFD0] =	vst v8  }
0xbc: {  	[tilespmem:s30+$0xFFFFFFE0] =	vst v5  }
.Ltmp8:
0xbd: {  	[tilespmem:s30+$0xFFFFFFF0] =	vst v3;
	(pc) =	sbr.rel .LBB2_10-.Ltmp8, $4  }
0xbe: {  	[tilespmem:s30+$0x0] =	vst v0  }
0xbf: {  	[tilespmem:s30+$0x10] =	vst v1  }
0xc0: {  	[tilespmem:s30+$0x20] =	vst v2  }
0xc1: {  	[tilespmem:s30+$0xFFFFFFC0] =	vst v4  }
.LBB2_12:
0xc2: {  	_ =	sfence.sel $0x180000  }
0xc3: {  	[bflag:$0x0] =	sbarrier.arrive $0xFFFF  }
0xc4: {  	_ =	strace $0x9000004D  }
0xc5: {  	[bflag:$0x2] =	sbarrier.arrive $0xFFFF  }
0xc6: {  	s0 =	rddreg [dreg:$0x3]  }
0xc7: {  	s0 =	sadd.s32 @!p0 $0x100000, s0  }
0xc8: {  	[sflag:s0] =	ssyncadd.tile.s32 @!p0 $0x1;
	_ =	shalt  }
.Lfunc_end2:
_tile_overlayer_lowered:
.L_overlay_start_2:
0xc9: {  	(tag) =	ssettag $0x2  }
0xca: {  	s0 =	rddreg [dreg:$0x0];
	s2 =	stileid.u32  }
0xcb: {  	s1 =	rddreg [dreg:$0x1];
	p0 =	sne.s32 s2, $0x0  }
0xcc: {  	s3 =	rddreg [dreg:$0x2];
	[bflag:$0x3] =	sbarrier.arrive $0xFFFF;
	s2 =	simm.s32 @!p0 $0x1C02  }
0xcd: {  	[timem:s3], [sflag:s2] =	dma.local @!p0 [hbm:s0], s1  }
0xce: {  	s0 =	simm.s32 @!p0 $0x2  }
0xcf: {  	_ =	swait.ge @!p0 [sflag:s0], s1  }
0xd0: {  	s1 =	ssub.s32 @!p0 $0x0, s1;
	[sflag:s0] =	ssyncset.done @!p0 $0x0  }
0xd1: {  	[sflag:s0] =	ssyncadd.s32 @!p0 s1  }
0xd2: {  	[bflag:$0x3] =	sbarrier.arrive $0xFFFF  }
0xd3: {  	_ =	shalt  }

// kernel: kernel.8.cloned.1.call-start
scs
__scs_entry_jumppad:
0x0: {  	(pc) =	sbr.rel $0x88, $3  }
0x1: {  	(tag) =	ssettag $0x0;
	lr =	simm.s32 $0x1  }
0x2: {  	[smem:$0x3F9B] =	sst lr;
	_ =	strace $0xD0000000  }
0x3: {  	_ = 	snop  }
0x4: {  	_ = 	snop  }
0x5: {  	_ = 	snop  }
0x6: {  	_ = 	snop  }
0x7: {  	_ = 	snop  }
__scs_overlays_trampoline_lowered:
0x8: {  	[smem:$0x3FAA] =	sst s0  }
0x9: {  	[smem:$0x3FAB] =	sst s1  }
0xa: {  	[smem:$0x3FAC] =	sst s2  }
0xb: {  	[smem:$0x3FAD] =	sst s3  }
0xc: {  	[smem:$0x3FAE] =	sst s4  }
0xd: {  	[smem:$0x3FAF] =	sst s5  }
0xe: {  	[smem:$0x3FB0] =	sst s6  }
0xf: {  	[smem:$0x3FB1] =	sst s7  }
0x10: {  	[smem:$0x3FB2] =	sst s8  }
0x11: {  	[smem:$0x3FB3] =	sst s9;
	s0 =	simm.s32 @!p0 $0x0  }
0x12: {  	s1 =	sld [smem:$0x3F99];
	s0 =	simm.s32 @p0 $0x1  }
0x13: {  	[smem:$0x3FB4] =	sst s0;
	s0 =	simm.s32 @!p1 $0x0  }
0x14: {  	s2 =	sld [smem:$0x3F98];
	s0 =	simm.s32 @p1 $0x1  }
0x15: {  	[smem:$0x3FB5] =	sst s0;
	s0 =	simm.s32 @!p2 $0x0  }
0x16: {  	s3 =	sld [smem:$0x3FDB];
	s0 =	simm.s32 @p2 $0x1  }
0x17: {  	s4 =	simm.s32 $0x1BF5;
	[smem:$0x3FB7] =	sst s0  }
0x18: {  	s0 =	sld [smem:$0x3F9A];
	_ =	swait.ge [sflag:s4], $0x0  }
0x19: {  	s7 =	sld [smem:$0x3F9B]  }
0x1a: {  	s8 =	sadd.s32 $0xFFFFE003, lr  }
0x1b: {  	s9 =	sadd.s32 $0xFFFFFEF7, lr;
	s5 =	simm.s32 $0xFFFFFFFF;
	p2 =	slt.u32 s8, $0xFFFFF086  }
0x1c: {  	p1 =	slt.u32 s9, $0xF7A;
	s5 =	simm.s32 @!p2 $0x0  }
0x1d: {  	s5 =	simm.s32 @p1 $0x1;
	p0 =	seq.s32 s7, s2  }
0x1e: {  	s7 =	smul.u32 @!p0 $0xF7A, s2;
	p2 =	seq.s32 @!p0 s5, $0x0  }
0x1f: {  	s9 =	smul.u32 $0xF7A, s1;
	s8 =	simm.s32 @!p0 $0x1BF5;
	p2 =	por !p2, p0  }
0x20: {  	[sflag:s8] =	ssyncset.s32 @!p0 $0xFFFFF086;
	s6 =	sadd.s32 @!p0 s3, s7;
	s7 =	simm.s32 @!p0 $0x108  }
0x21: {  	s3 =	sadd.s32 s3, s9;
	s6 =	sadd.s32 @!p0 $0x88, s6;
	s7 =	simm.s32 @p2 $0x1082  }
0x22: {  	[simem:s7], [sflag:s8] =	dma.local @!p0 [hbm:s6], $0xF7A  }
0x23: {  	s9 =	sor.u32 $0xD0000000, s2;
	s6 =	simm.s32 $0x108;
	_ =	swait.ge @!p0 [sflag:s8], $0x0  }
0x24: {  	s3 =	sadd.s32 $0x88, s3;
	s6 =	simm.s32 @!p1 $0x1082;
	[sflag:s4] =	ssyncset.s32 $0xFFFFF086  }
0x25: {  	[simem:s6], [sflag:s4] =	dma.local [hbm:s3], $0xF7A  }
0x26: {  	[smem:$0x3F9B] =	sst s1;
	(tag) =	ssettag s2;
	_ =	strace s9  }
0x27: {  	s1 =	sld [smem:$0x3FAB]  }
0x28: {  	s2 =	sld [smem:$0x3FAC]  }
0x29: {  	s4 =	sld [smem:$0x3FAE]  }
0x2a: {  	p0 =	seq.s32 s5, $0x0;
	s5 =	sld [smem:$0x3FAF]  }
0x2b: {  	s6 =	sld [smem:$0x3FB0]  }
0x2c: {  	s7 =	sld [smem:$0x3FB1]  }
0x2d: {  	s3 =	simm.s32 $0x108;
	s8 =	sld [smem:$0x3FB2]  }
0x2e: {  	s3 =	simm.s32 @!p0 $0x1082;
	s9 =	sld [smem:$0x3FB3]  }
0x2f: {  	lr =	sadd.s32 s0, s3;
	s0 =	sld [smem:$0x3FAA]  }
0x30: {  	s3 =	sld [smem:$0x3FAD]  }
0x31: {  	[smem:$0x3FB6] =	sst s10  }
0x32: {  	s10 =	sld [smem:$0x3FB4];
	_ =	sdelay $0x3  }
0x33: {  	p0 =	seq.s32 s10, $0x1;
	s10 =	sld [smem:$0x3FB6];
	_ =	sdelay $0x3  }
0x34: {  	[smem:$0x3FB6] =	sst s10  }
0x35: {  	s10 =	sld [smem:$0x3FB5];
	_ =	sdelay $0x3  }
0x36: {  	p1 =	seq.s32 s10, $0x1;
	s10 =	sld [smem:$0x3FB6];
	_ =	sdelay $0x3  }
0x37: {  	[smem:$0x3FB6] =	sst s10  }
0x38: {  	s10 =	sld [smem:$0x3FB7]  }
0x39: {  	_ = 	snop;
	(pc) =	sbr.ind lr, $3  }
0x3a: {  	_ = 	snop  }
0x3b: {  	_ = 	snop  }
0x3c: {  	p2 =	seq.s32 s10, $0x1;
	s10 =	sld [smem:$0x3FB6]  }
0x3d: {  	_ =	shalt  }
0x3e: {  	_ =	shalt  }
0x3f: {  	_ =	shalt  }
0x40: {  	_ =	shalt  }
0x41: {  	_ =	shalt  }
0x42: {  	_ =	shalt  }
0x43: {  	_ =	shalt  }
0x44: {  	_ =	shalt  }
0x45: {  	_ =	shalt  }
0x46: {  	_ =	shalt  }
0x47: {  	_ =	shalt  }
0x48: {  	_ =	shalt  }
0x49: {  	_ =	shalt  }
0x4a: {  	_ =	shalt  }
0x4b: {  	_ =	shalt  }
0x4c: {  	_ =	shalt  }
0x4d: {  	_ =	shalt  }
0x4e: {  	_ =	shalt  }
0x4f: {  	_ =	shalt  }
0x50: {  	_ =	shalt  }
0x51: {  	_ =	shalt  }
0x52: {  	_ =	shalt  }
0x53: {  	_ =	shalt  }
0x54: {  	_ =	shalt  }
0x55: {  	_ =	shalt  }
0x56: {  	_ =	shalt  }
0x57: {  	_ =	shalt  }
0x58: {  	_ =	shalt  }
0x59: {  	_ =	shalt  }
0x5a: {  	_ =	shalt  }
0x5b: {  	_ =	shalt  }
0x5c: {  	_ =	shalt  }
0x5d: {  	_ =	shalt  }
0x5e: {  	_ =	shalt  }
0x5f: {  	_ =	shalt  }
0x60: {  	_ =	shalt  }
0x61: {  	_ =	shalt  }
0x62: {  	_ =	shalt  }
0x63: {  	_ =	shalt  }
0x64: {  	_ =	shalt  }
0x65: {  	_ =	shalt  }
0x66: {  	_ =	shalt  }
0x67: {  	_ =	shalt  }
0x68: {  	_ =	shalt  }
0x69: {  	_ =	shalt  }
0x6a: {  	_ =	shalt  }
0x6b: {  	_ =	shalt  }
0x6c: {  	_ =	shalt  }
0x6d: {  	_ =	shalt  }
0x6e: {  	_ =	shalt  }
0x6f: {  	_ =	shalt  }
0x70: {  	_ =	shalt  }
0x71: {  	_ =	shalt  }
0x72: {  	_ =	shalt  }
0x73: {  	_ =	shalt  }
0x74: {  	_ =	shalt  }
0x75: {  	_ =	shalt  }
0x76: {  	_ =	shalt  }
0x77: {  	_ =	shalt  }
0x78: {  	_ =	shalt  }
0x79: {  	_ =	shalt  }
0x7a: {  	_ =	shalt  }
0x7b: {  	_ =	shalt  }
0x7c: {  	_ =	shalt  }
0x7d: {  	_ =	shalt  }
0x7e: {  	_ =	shalt  }
0x7f: {  	_ =	shalt  }
0x80: {  	_ =	shalt  }
0x81: {  	_ =	shalt  }
0x82: {  	_ =	shalt  }
0x83: {  	_ =	shalt  }
0x84: {  	_ =	shalt  }
0x85: {  	_ =	shalt  }
0x86: {  	_ =	shalt  }
0x87: {  	_ =	shalt  }
.Lfunc_end0:
.L_simem_size_0:
called_computation_lowered:
.L_overlay_start_0:
0x88: {  	s2 =	sld [smem:$0x3FD9]  }
0x89: {  	s3 =	sld [smem:$0x3FFE];
	_ =	sdelay $0x1  }
0x8a: {  	s1 =	srdreg.scid  }
0x8b: {  	s0 =	sand.u32 $0x1, s1  }
0x8c: {  	s17 =	sshll.u32 s0, $0xA;
	s2 =	sadd.s32 s3, s2  }
0x8d: {  	s2 =	sadd.s32 s2, s17  }
0x8e: {  	[smem:$0x3FC2] =	sst s2  }
0x8f: {  	_ = 	snop  }
0x90: {  	s2 =	sld [smem:$0x3FD0];
	(tm) =	ssettm $0x1  }
0x91: {  	s18 =	sld [smem:$0x3FFB];
	_ =	sdelay $0x3  }
0x92: {  	_ =	strace s18  }
0x93: {  	s3 =	sld [smem:$0x3FFC];
	_ =	sdelay $0x3  }
0x94: {  	_ =	strace s3  }
0x95: {  	s3 =	sld [smem:$0x3FFD];
	_ =	sdelay $0x3  }
0x96: {  	_ =	strace s3  }
0x97: {  	_ =	strace $0x8FFFFFFF  }
0x98: {  	s19 =	sld [smem:$0x3FDB];
	_ =	sdelay $0x1  }
0x99: {  	s4 =	simm.s32 $_scs_section_size  }
0x9a: {  	s5 =	simm.s32 $_size__tile_overlayer_lowered;
	s6 =	simm.s32 $_tile_overlayer_lowered  }
0x9b: {  	s22 =	simm.s32 $0x1BFF;
	s21 =	sshll.u32 s6, $0x1;
	s3 =	sadd.s32 s4, s19  }
0x9c: {  	s7 =	simm.s32 $0x0;
	s20 =	sshll.u32 s5, $0x1;
	s5 =	sadd.s32 s21, s3  }
0x9d: {  	[timem:s7], [sflag:s22] =	dma.local [hbm:s5], s20  }
0x9e: {  	_ =	swait.ge [sflag:s22], s20  }
0x9f: {  	s4 =	ssub.s32 $0x0, s20;
	[sflag:s22] =	ssyncset.done $0x0  }
0xa0: {  	[sflag:s22] =	ssyncadd.s32 s4;
	_ =	sdelay $0x1  }
0xa1: {  	s23 =	simm.s32 $0x1B8B  }
0xa2: {  	_ =	swait.ge [sflag:s23], $0x1  }
0xa3: {  	[sflag:s23] =	ssyncset.done $0x0  }
0xa4: {  	s25 =	simm.s32 $0x1B8E;
	s24 =	sld [smem:$0x3FFE];
	[sflag:s23] =	ssyncadd.s32 $0xFFFFFFFF  }
0xa5: {  	s26 =	simm.s32 $execute0_lowered;
	[smem:$0x3FD2] =	sst s25  }
0xa6: {  	s5 =	sshll.u32 s26, $0x1;
	_ =	strace $0x80000046;
	[dreg:$0x1] =	wrdreg $0xFFFFFFFF  }
0xa7: {  	s28 =	simm.s32 $_size_execute0_lowered;
	s3 =	sadd.s32 s3, s5;
	[dreg:$0x0] =	wrdreg $0x0  }
0xa8: {  	s5 =	sshll.u32 s28, $0x1;
	[dreg:$0x2] =	wrdreg s3  }
0xa9: {  	[dreg:$0x3] =	wrdreg s5  }
0xaa: {  	[dreg:$0x4] =	wrdreg $0xC0  }
0xab: {  	_ =	task [dreg:s7], $0x5FFFF  }
0xac: {  	[dreg:$0x1] =	wrdreg $0xFFFFFFFF  }
0xad: {  	[dreg:$0x0] =	wrdreg $0x60  }
0xae: {  	[dreg:$0x2] =	wrdreg s24  }
0xaf: {  	[dreg:$0x3] =	wrdreg s2  }
0xb0: {  	[dreg:$0x4] =	wrdreg $0x96000  }
0xb1: {  	[dreg:$0x5] =	wrdreg $0x9  }
0xb2: {  	_ =	task.clear_ibuf [dreg:s7], $0x6FFFF;
	_ =	strace $0x90000046  }
0xb3: {  	s29 =	simm.s32 $0x9;
	_ =	strace $0x80000048  }
0xb4: {  	_ =	swait.ge [sflag:s29], $0x1  }
0xb5: {  	[sflag:s29] =	ssyncadd.s32 $0xFFFFFFFF  }
0xb6: {  	_ =	strace $0x90000048  }
0xb7: {  	_ =	sfence  }
0xb8: {  	s30 =	sld [smem:$0x0];
	_ =	sdelay $0x2  }
0xb9: {  	s31 =	sshll.u32 s1, $0xD;
	s1 =	sshrl.u32 s1, $0x2  }
0xba: {  	s3 =	sand.u32 $0x4000, s31;
	s1 =	sadd.s32 s1, s30  }
0xbb: {  	s0 =	sor.u32 s3, s0;
	s1 =	sshll.u32 s1, $0x11  }
0xbc: {  	s0 =	sor.u32 s1, s0  }
0xbd: {  	s0 =	sadd.s32 $0x8F2B, s0  }
0xbe: {  	[sflag:s0] =	ssyncadd.remote.s32 $0x1  }
0xbf: {  	_ =	sfence.sel $0xFFFF  }
0xc0: {  	[dreg:$0x0] =	wrdreg $0xFFFFFFFF;
	(pc) =	sbr.abs _section_cstart, $3  }
0xc1: {  	[dreg:$0x1] =	wrdreg $0xFFFFFFFF  }
0xc2: {  	_ =	task.clear_ibuf [dreg:s7], $0x2FFFF;
	_ =	strace $0x9FFFFFFF  }
0xc3: {  	(tm) =	ssettm $0x7FFFFFFF  }
tec
execute0_lowered:
.L_overlay_start_1:
0x0: {  	(tag) =	ssettag $0x1  }
0x1: {  	s6 =	rddreg [dreg:$0x0]  }
0x2: {  	s1 =	rddreg [dreg:$0x1]  }
0x3: {  	s2 =	rddreg [dreg:$0x2]  }
0x4: {  	s0 =	rddreg [dreg:$0x3];
	s3 =	simm.s32 $0x0  }
0x5: {  	s4 =	srdreg.scid;
	s16 =	stileid.u32;
	s14 =	simm.s32 $0x2  }
0x6: {  	s15 =	simm.s32 $0x3200;
	s19 =	simm.s32 $0x20;
	s20 =	simm.s32 $0x10  }
0x7: {  	s21 =	simm.s32 $0x0;
	[smem:$0x7FF] =	sst s3;
	s5 =	smul.u32 $0x3100, s16  }
0x8: {  	s7 =	sand.u32 $0x1, s4;
	s28 =	sshll.u32 s16, $0x1;
	s10 =	smul.u32 $0x6200, s16  }
0x9: {  	s4 =	sadd.s32 $0x18E400, s6;
	s11 =	smul.u32 $0x64000, s16;
	p0 =	sne.s32 s16, $0x0  }
0xa: {  	s17 =	sshll.u32 s16, $0x6;
	s16 =	simm.s32 $0x1;
	_ =	strace $0x80000047  }
0xb: {  	s8 =	sshll.u32 s7, $0x7;
	s9 =	sor.u32 s7, s28;
	s29 =	ssub.s32 $0x2, s7  }
0xc: {  	s13 =	smul.u32 $0x32000, s7;
	s17 =	sor.u32 $0x1C02, s17;
	s8 =	sor.u32 s8, s5  }
0xd: {  	s9 =	smul.u32 $0x32000, s9;
	s5 =	sadd.s32 $0x2E00, s6;
	s12 =	sshrl.u32 s29, $0x1  }
0xe: {  	s30 =	sshrl.u32 s10, $0x2;
	s8 =	sshrl.u32 s8, $0x3;
	s12 =	ssub.s32 s29, s12  }
0xf: {  	s18 =	sadd.s32 s30, s2;
	s31 =	sadd.s32 s13, s11;
	s13 =	simm.s32 $0x6400  }
0x10: {  	s8 =	sadd.s32 s8, s6;
	s9 =	sshrl.u32 s9, $0x3;
	s11 =	sadd.s32 $0x3200, s31  }
0x11: {  	s10 =	sadd.s32 $0x6400, s31;
	s18 =	sshrl.u32 s18, $0x3;
	s6 =	sadd.s32 s4, s9  }
0x12: {  	s7 =	sadd.s32 $0x3600, s8;
	s8 =	smax.u32 s12, $0x1;
	s11 =	sshrl.u32 s11, $0x3  }
0x13: {  	s12 =	sshrl.u32 @!p0 s2, $0x3;
	s9 =	sadd.s32 $0x5DC0, s6;
	s11 =	sadd.s32 s11, s4  }
.LBB2_1:
0x14: {  	s22 =	simm.s32 @!p0 $0x1C02  }
0x15: {  	[spmem:s12], [sflag:s22] =	dma.local @!p0 [hbm:s1], $0x3100  }
0x16: {  	s22 =	simm.s32 @!p0 $0x2  }
0x17: {  	_ =	swait.ge @!p0 [sflag:s22], $0x3100  }
0x18: {  	[sflag:s22] =	ssyncset.done @!p0 $0x0  }
0x19: {  	[sflag:s22] =	ssyncadd.s32 @!p0 $0xFFFFCF00  }
0x1a: {  	[tilespmem:s13], [sflag:$0x2] =	stream.linear.gather [hbm4b:s5+s3], $0x3200, $0x38;
	[tilespmem:$0xAE80] =	vst v63  }
0x1b: {  	_ =	swait.ge [sflag:s14], $0x3200  }
0x1c: {  	[sflag:s14] =	ssyncset.done $0x0  }
0x1d: {  	[sflag:s14] =	ssyncadd.s32 $0xFFFFCE00  }
0x1e: {  	[tilespmem:s3], [sflag:$0x2] =	stream.linear.gather [hbm4b:s6+s3], $0x3200, $0x38;
	[tilespmem:$0xAE80] =	vst v63  }
0x1f: {  	_ =	swait.ge [sflag:s14], $0x3200  }
0x20: {  	[sflag:s14] =	ssyncset.done $0x0  }
0x21: {  	[sflag:s14] =	ssyncadd.s32 $0xFFFFCE00  }
0x22: {  	[bflag:$0x0] =	sbarrier.arrive $0xFFFF  }
0x23: {  	[spmem:s2] =	stream.indirect.scatter.add.f32 [tilespmem:s13], [sflag:$0x1], $0x1, s3, s15, $0xb8;
	[tilespmem:$0xAE80] =	vst v63  }
0x24: {  	s30 =	sadd.s32 $0x0, s11  }
0x25: {  	[tilespmem:s15], [sflag:$0x2] =	stream.linear.gather [hbm4b:s30+s3], $0x3200, $0x38;
	[tilespmem:$0xAE80] =	vst v63  }
0x26: {  	_ =	swait.ge [sflag:s14], $0x3200  }
0x27: {  	[sflag:s14] =	ssyncset.done $0x0  }
0x28: {  	[sflag:s14] =	ssyncadd.s32 $0xFFFFCE00  }
0x29: {  	_ =	swait.ge [sflag:s16], $0x3200  }
0x2a: {  	[sflag:s16] =	ssyncset.done $0x0  }
0x2b: {  	s31 =	sshrl.u32 s10, $0x3;
	[sflag:s16] =	ssyncadd.s32 $0xFFFFCE00  }
0x2c: {  	[spmem:s2] =	stream.indirect.scatter.add.f32 [tilespmem:s13], [sflag:$0x1], $0x1, s15, s15, $0xb8;
	[tilespmem:$0xAE80] =	vst v63  }
0x2d: {  	s22 =	sadd.s32 s4, s31  }
0x2e: {  	[tilespmem:s3], [sflag:$0x2] =	stream.linear.gather [hbm4b:s22+s3], $0x3200, $0x38;
	[tilespmem:$0xAE80] =	vst v63  }
0x2f: {  	_ =	swait.ge [sflag:s14], $0x3200  }
0x30: {  	[sflag:s14] =	ssyncset.done $0x0  }
0x31: {  	[sflag:s14] =	ssyncadd.s32 $0xFFFFCE00  }
0x32: {  	_ =	swait.ge [sflag:s16], $0x3200  }
0x33: {  	s23 =	smov.u32 s10;
	s22 =	simm.s32 $0xC80;
	[sflag:s16] =	ssyncset.done $0x0  }
.LBB2_2:
0x34: {  	p1 =	sne.s32 s22, $0x4B00;
	[sflag:s16] =	ssyncadd.s32 $0xFFFFCE00;
	s23 =	sadd.s32 $0x6400, s23  }
0x35: {  	[spmem:s2] =	stream.indirect.scatter.add.f32 [tilespmem:s13], [sflag:$0x1], $0x1, s3, s15, $0xb8;
	[tilespmem:$0xAE80] =	vst v63  }
0x36: {  	s24 =	sadd.s32 s22, s11;
	s22 =	sadd.s32 $0xC80, s22  }
0x37: {  	[tilespmem:s15], [sflag:$0x2] =	stream.linear.gather [hbm4b:s24+s3], $0x3200, $0x38;
	[tilespmem:$0xAE80] =	vst v63  }
0x38: {  	_ =	swait.ge [sflag:s14], $0x3200  }
0x39: {  	[sflag:s14] =	ssyncset.done $0x0  }
0x3a: {  	[sflag:s14] =	ssyncadd.s32 $0xFFFFCE00  }
0x3b: {  	_ =	swait.ge [sflag:s16], $0x3200  }
0x3c: {  	[sflag:s16] =	ssyncset.done $0x0  }
0x3d: {  	s24 =	sshrl.u32 s23, $0x3;
	[sflag:s16] =	ssyncadd.s32 $0xFFFFCE00  }
0x3e: {  	[spmem:s2] =	stream.indirect.scatter.add.f32 [tilespmem:s13], [sflag:$0x1], $0x1, s15, s15, $0xb8;
	[tilespmem:$0xAE80] =	vst v63  }
0x3f: {  	s24 =	sadd.s32 s4, s24  }
0x40: {  	[tilespmem:s3], [sflag:$0x2] =	stream.linear.gather [hbm4b:s24+s3], $0x3200, $0x38;
	[tilespmem:$0xAE80] =	vst v63  }
.Ltmp0:
0x41: {  	_ =	swait.ge [sflag:s14], $0x3200;
	(pc) =	sbr.rel @p1 .LBB2_2-.Ltmp0, $4  }
0x42: {  	[sflag:s14] =	ssyncset.done $0x0  }
0x43: {  	[sflag:s14] =	ssyncadd.s32 $0xFFFFCE00  }
0x44: {  	_ =	swait.ge [sflag:s16], $0x3200  }
0x45: {  	[sflag:s16] =	ssyncset.done $0x0  }
0x46: {  	[sflag:s16] =	ssyncadd.s32 $0xFFFFCE00  }
0x47: {  	[spmem:s2] =	stream.indirect.scatter.add.f32 [tilespmem:s13], [sflag:$0x1], $0x1, s3, s15, $0xb8;
	[tilespmem:$0xAE80] =	vst v63  }
0x48: {  	_ = 	snop  }
0x49: {  	[tilespmem:s15], [sflag:$0x2] =	stream.linear.gather [hbm4b:s9+s3], $0x3200, $0x38;
	[tilespmem:$0xAE80] =	vst v63  }
0x4a: {  	_ =	swait.ge [sflag:s14], $0x3200  }
0x4b: {  	[sflag:s14] =	ssyncset.done $0x0  }
0x4c: {  	[sflag:s14] =	ssyncadd.s32 $0xFFFFCE00  }
0x4d: {  	_ =	swait.ge [sflag:s16], $0x3200  }
0x4e: {  	[sflag:s16] =	ssyncset.done $0x0  }
0x4f: {  	[sflag:s16] =	ssyncadd.s32 $0xFFFFCE00  }
0x50: {  	[spmem:s2] =	stream.indirect.scatter.add.f32 [tilespmem:s13], [sflag:$0x1], $0x1, s15, s15, $0xb8;
	[tilespmem:$0xAE80] =	vst v63  }
0x51: {  	_ =	swait.ge [sflag:s16], $0x3200  }
0x52: {  	s21 =	sadd.s32 $0x1, s21;
	[sflag:s16] =	ssyncset.done $0x0  }
0x53: {  	p1 =	sne.s32 s21, s8;
	[sflag:s16] =	ssyncadd.s32 $0xFFFFCE00  }
.Ltmp1:
0x54: {  	[bflag:$0x0] =	sbarrier.arrive $0xFFFF;
	(pc) =	sbr.rel @p1 .LBB2_1-.Ltmp1, $4  }
0x55: {  	[hbm:s7@s19], [sflag:s17] =	dma.strided [spmem:s18@s20], $0x310, s16, $0x10   }
0x56: {  	_ =	swait.ge [sflag:s14], $0x310  }
0x57: {  	[sflag:s14] =	ssyncset.done $0x0  }
0x58: {  	[sflag:s14] =	ssyncadd.s32 $0xFFFFFCF0  }
0x59: {  	_ =	sfence.sel $0x180000  }
0x5a: {  	[bflag:$0x0] =	sbarrier.arrive $0xFFFF  }
0x5b: {  	_ =	strace $0x90000047  }
0x5c: {  	s0 =	sadd.s32 @!p0 $0x100000, s0;
	[bflag:$0x2] =	sbarrier.arrive $0xFFFF  }
0x5d: {  	[sflag:s0] =	ssyncadd.tile.s32 @!p0 $0x1;
	_ =	shalt  }
.Lfunc_end2:
_tile_overlayer_lowered:
.L_overlay_start_2:
0x5e: {  	(tag) =	ssettag $0x2  }
0x5f: {  	s0 =	rddreg [dreg:$0x0];
	s2 =	stileid.u32  }
0x60: {  	s1 =	rddreg [dreg:$0x1];
	p0 =	sne.s32 s2, $0x0  }
0x61: {  	s3 =	rddreg [dreg:$0x2];
	[bflag:$0x3] =	sbarrier.arrive $0xFFFF;
	s2 =	simm.s32 @!p0 $0x1C02  }
0x62: {  	[timem:s3], [sflag:s2] =	dma.local @!p0 [hbm:s0], s1  }
0x63: {  	s0 =	simm.s32 @!p0 $0x2  }
0x64: {  	_ =	swait.ge @!p0 [sflag:s0], s1  }
0x65: {  	s1 =	ssub.s32 @!p0 $0x0, s1;
	[sflag:s0] =	ssyncset.done @!p0 $0x0  }
0x66: {  	[sflag:s0] =	ssyncadd.s32 @!p0 s1  }
0x67: {  	[bflag:$0x3] =	sbarrier.arrive $0xFFFF  }
0x68: {  	_ =	shalt  }

</sc_bundles>
